<compile_context>
chip_gen: v7x
topology: tpu7x:2x2x1
jax: 0.10.2.dev20260603
libtpu: 0.0.44.dev20260713+nightly
codegen_flags: <defaults>
</compile_context>

<pallas_src>
import functools

import jax
import jax.numpy as jnp
from jax import lax
from jax.experimental import pallas as pl
from jax.experimental.pallas import tpu as pltpu
from jax.experimental.pallas import tpu_sc as plsc

_F = 26
_D = 32
_B = 4096
_VOCAB = 100000
_N = _B * _F

_NW = 32
_BPW = _N // _NW
_CH = 128
_NCH = _BPW // _CH
_RING = 6

_BLK = 1024

_mesh = plsc.VectorSubcoreMesh(core_axis_name="c", subcore_axis_name="s")


@functools.partial(
    pl.kernel,
    mesh=_mesh,
    out_type=jax.ShapeDtypeStruct((_N, 4 * _D), jnp.float32),
    scratch_types=[
        pltpu.VMEM((_NCH, _CH), jnp.int32),
    ]
    + [pltpu.VMEM((_CH, _CH), jnp.float32) for _ in range(_RING)]
    + [
        pltpu.SemaphoreType.DMA((_RING,)),
    ],
)
def _sc_gather(tab4, gidx_hbm, slab_out, gidx_v, *rest):
    slabs = list(rest[:_RING])
    sems = rest[_RING]
    w = lax.axis_index("s") * 2 + lax.axis_index("c")
    nbase = w * _BPW
    pltpu.sync_copy(gidx_hbm.at[w], gidx_v)

    for b in range(_RING):
        pltpu.async_copy(tab4.at[gidx_v.at[b]], slabs[b], sems.at[b])

    def _drain(cb, b):
        pltpu.make_async_copy(
            tab4.at[gidx_v.at[0]], slabs[b], sems.at[b]
        ).wait()
        pltpu.sync_copy(
            slabs[b], slab_out.at[pl.ds(nbase + cb * _CH, _CH)]
        )

    def _group(g, carry):
        for b in range(_RING):
            cb = g * _RING + b
            _drain(cb, b)

            @pl.when(cb + _RING < _NCH)
            def _():
                pltpu.async_copy(
                    tab4.at[gidx_v.at[cb + _RING]], slabs[b], sems.at[b]
                )

        return carry

    lax.fori_loop(0, _NCH // _RING, _group, 0)
    for cb in range(_NCH - _NCH % _RING, _NCH):
        _drain(cb, cb % _RING)


def _extract_body(slab_ref, q_ref, o_ref):
    q = q_ref[...]
    acc = jnp.zeros((_BLK, _D), jnp.float32)
    for qq in range(4):
        part = slab_ref[:, qq * _D:(qq + 1) * _D]
        acc = acc + jnp.where(q == qq, part, 0.0)
    o_ref[...] = acc


_extract = pl.pallas_call(
    _extract_body,
    grid=(_N // _BLK,),
    in_specs=[
        pl.BlockSpec((_BLK, 4 * _D), lambda i: (i, 0)),
        pl.BlockSpec((_BLK, _D), lambda i: (i, 0)),
    ],
    out_specs=pl.BlockSpec((_BLK, _D), lambda i: (i, 0)),
    out_shape=jax.ShapeDtypeStruct((_N, _D), jnp.float32),
)


def kernel(inputs, table):
    prefix = jnp.arange(_F, dtype=jnp.int32) * _VOCAB
    fused = inputs + prefix[None, :]
    gidx = lax.shift_right_logical(fused, 2).reshape(_NW, _NCH, _CH)
    qb = jnp.broadcast_to(
        lax.bitwise_and(fused, 3).reshape(_N, 1), (_N, _D)
    )
    tab4 = table.reshape(-1, 4 * _D)
    slabs = _sc_gather(tab4, gidx)
    out = _extract(slabs, qb)
    return out.reshape(_B, _F, _D)

# --- scband reference (transcript-rebuilt; emitter-appended) ---
"""Pipeline reference for scband-sokembedding-76828374991712 (READ-ONLY COPY).

The authoritative reference and input builder live on the scoring server;
editing this copy changes nothing except your own understanding.
"""

import jax, jax.numpy as jnp
import numpy as np

VOCAB_SIZES = [100000] * 26
EMBED_DIM = 32
BATCH = 4096
TOTAL_VOCAB = sum(VOCAB_SIZES)


def _prefix_sum():
    prefix = []
    offset = 0
    for v in VOCAB_SIZES:
        prefix.append(offset)
        offset += v
    return jnp.asarray(np.array(prefix, dtype=np.int32).reshape(1, -1))


def setup_inputs(seed: int = 0) -> dict:
    key = jax.random.key(seed)
    k_idx, k_tab = jax.random.split(key)
    # per-field indices, each column in [0, vocab_sizes[i]) (all equal here)
    inputs = jax.random.randint(k_idx, (BATCH, len(VOCAB_SIZES)), 0, VOCAB_SIZES[0], dtype=jnp.int32)
    # fused embedding table for all 26 slots stacked along rows
    table = jax.random.normal(k_tab, (TOTAL_VOCAB, EMBED_DIM), dtype=jnp.float32) * 0.01
    return {"inputs": inputs, "table": table}


def reference(inputs, table):
    # fuse per-field indices into the concatenated table's row space
    prefix = _prefix_sum()  # [1, 26]
    fused_inputs = inputs + prefix  # [B, 26]
    flat = fused_inputs.reshape(-1)  # [B*26]
    emb_vectors = jnp.take(table, flat, axis=0)  # [B*26, D]
    emb_vectors = emb_vectors.reshape(-1, len(VOCAB_SIZES), EMBED_DIM)  # [B, 26, D]
    return emb_vectors

if __name__ == "__main__":
    import jax
    _d = setup_inputs()
    print(jax.jit(kernel)(*tuple(_d.values())))

</pallas_src>

<mosaic_0001>
#map = affine_map<(d0, d1) -> (0, 0)>
#map1 = affine_map<(d0, d1) -> (0, 0, 0)>
module attributes {stable_mosaic.version = 14 : i64} {
  func.func @_sc_gather(%arg0: i32, %arg1: i32, %arg2: memref<650000x128xf32, #tpu.memory_space<hbm>>, %arg3: memref<32x26x128xi32, #tpu.memory_space<hbm>>, %arg4: memref<106496x128xf32, #tpu.memory_space<hbm>>, %arg5: memref<26x128xi32, #tpu.memory_space<vmem>>, %arg6: memref<128x128xf32, #tpu.memory_space<vmem>>, %arg7: memref<128x128xf32, #tpu.memory_space<vmem>>, %arg8: memref<128x128xf32, #tpu.memory_space<vmem>>, %arg9: memref<128x128xf32, #tpu.memory_space<vmem>>, %arg10: memref<128x128xf32, #tpu.memory_space<vmem>>, %arg11: memref<128x128xf32, #tpu.memory_space<vmem>>, %arg12: memref<6x!tpu.dma_semaphore, #tpu.memory_space<semaphore_mem>>) attributes {dimension_semantics = [#tpu.dimension_semantics<core_parallel>, #tpu.dimension_semantics<subcore_parallel>], iteration_bounds = array<i64: 2, 16>, scalar_prefetch = 0 : i64, scratch_operands = 8 : i64, tpu.core_type = #tpu.core_type<sc_vector_subcore>, window_params = [{transform_indices = #map}, {transform_indices = #map1}, {transform_indices = #map}]} {
    %mul3A = arith.constant 2 : i32
    %mul3A_0 = arith.muli %arg1, %mul3A : i32
    %add3A = arith.addi %mul3A_0, %arg0 : i32
    %mul3A_1 = arith.constant 3328 : i32
    %mul3A_2 = arith.muli %add3A, %mul3A_1 : i32
    "tpu.region"() ({
      %run_scoped3A = tpu.sem_alloc : memref<!tpu.dma_semaphore, #tpu.memory_space<semaphore_mem>>
      %dma_start3A_90 = arith.constant 0 : i32
      %dma_start3A_91 = arith.constant 0 : i32
      %dma_start3A_92 = tpu.memref_slice %arg3[%add3A, %dma_start3A_90, %dma_start3A_91] : memref<32x26x128xi32, #tpu.memory_space<hbm>> -> memref<1x26x128xi32, #tpu.memory_space<hbm>>
      %dma_start3A_93 = tpu.memref_squeeze %dma_start3A_92 : memref<1x26x128xi32, #tpu.memory_space<hbm>> -> memref<26x128xi32, #tpu.memory_space<hbm>>
      %dma_start3A_94 = arith.constant 0 : i32
      %dma_start3A_95 = arith.constant 0 : i32
      %dma_start3A_96 = tpu.memref_slice %arg3[%add3A, %dma_start3A_94, %dma_start3A_95] : memref<32x26x128xi32, #tpu.memory_space<hbm>> -> memref<1x26x128xi32, #tpu.memory_space<hbm>>
      %dma_start3A_97 = tpu.memref_squeeze %dma_start3A_96 : memref<1x26x128xi32, #tpu.memory_space<hbm>> -> memref<26x128xi32, #tpu.memory_space<hbm>>
      tpu.enqueue_dma source(%dma_start3A_97 : memref<26x128xi32, #tpu.memory_space<hbm>>) target(%arg5 : memref<26x128xi32, #tpu.memory_space<vmem>>) target_semaphore(%run_scoped3A : memref<!tpu.dma_semaphore, #tpu.memory_space<semaphore_mem>>)
      %dma_wait3A_98 = arith.constant 0 : i32
      %dma_wait3A_99 = arith.constant 0 : i32
      %dma_wait3A_100 = tpu.memref_slice %arg3[%add3A, %dma_wait3A_98, %dma_wait3A_99] : memref<32x26x128xi32, #tpu.memory_space<hbm>> -> memref<1x26x128xi32, #tpu.memory_space<hbm>>
      %dma_wait3A_101 = tpu.memref_squeeze %dma_wait3A_100 : memref<1x26x128xi32, #tpu.memory_space<hbm>> -> memref<26x128xi32, #tpu.memory_space<hbm>>
      %dma_wait3A_102 = arith.constant 0 : i32
      %dma_wait3A_103 = arith.constant 0 : i32
      %dma_wait3A_104 = tpu.memref_slice %arg3[%add3A, %dma_wait3A_102, %dma_wait3A_103] : memref<32x26x128xi32, #tpu.memory_space<hbm>> -> memref<1x26x128xi32, #tpu.memory_space<hbm>>
      %dma_wait3A_105 = tpu.memref_squeeze %dma_wait3A_104 : memref<1x26x128xi32, #tpu.memory_space<hbm>> -> memref<26x128xi32, #tpu.memory_space<hbm>>
      tpu.wait_dma2 semaphore(%run_scoped3A : memref<!tpu.dma_semaphore, #tpu.memory_space<semaphore_mem>>) src(%dma_wait3A_105 : memref<26x128xi32, #tpu.memory_space<hbm>>) dst(%arg5 : memref<26x128xi32, #tpu.memory_space<vmem>>)
      tpu.yield
    }) : () -> ()
    %dma_start3A = arith.constant 0 : i32
    %dma_start3A_3 = arith.constant 0 : i32
    %dma_start3A_4 = arith.constant 0 : i32
    %dma_start3A_5 = tpu.memref_slice %arg5[%dma_start3A, %dma_start3A_4] : memref<26x128xi32, #tpu.memory_space<vmem>> -> memref<1x128xi32, #tpu.memory_space<vmem>>
    %dma_start3A_6 = tpu.memref_squeeze %dma_start3A_5 : memref<1x128xi32, #tpu.memory_space<vmem>> -> memref<128xi32, #tpu.memory_space<vmem>>
    %dma_start3A_7 = arith.constant 0 : i32
    %dma_start3A_8 = arith.constant 0 : i32
    %dma_start3A_9 = tpu.memref_slice %arg2[%dma_start3A_7, %dma_start3A_8] : memref<650000x128xf32, #tpu.memory_space<hbm>> -> memref<650000x128xf32, #tpu.memory_space<hbm>>
    %dma_start3A_10 = tpu.memref_slice %arg12[%dma_start3A_3] : memref<6x!tpu.dma_semaphore, #tpu.memory_space<semaphore_mem>> -> memref<1x!tpu.dma_semaphore, #tpu.memory_space<semaphore_mem>>
    %dma_start3A_11 = tpu.memref_squeeze %dma_start3A_10 : memref<1x!tpu.dma_semaphore, #tpu.memory_space<semaphore_mem>> -> memref<!tpu.dma_semaphore, #tpu.memory_space<semaphore_mem>>
    tpu.enqueue_indirect_dma source(%dma_start3A_9 : memref<650000x128xf32, #tpu.memory_space<hbm>>) target(%arg6 : memref<128x128xf32, #tpu.memory_space<vmem>>) offsets(%dma_start3A_6 : memref<128xi32, #tpu.memory_space<vmem>>) semaphore(%dma_start3A_11 : memref<!tpu.dma_semaphore, #tpu.memory_space<semaphore_mem>>)
    %dma_start3A_12 = arith.constant 1 : i32
    %dma_start3A_13 = arith.constant 1 : i32
    %dma_start3A_14 = arith.constant 0 : i32
    %dma_start3A_15 = tpu.memref_slice %arg5[%dma_start3A_12, %dma_start3A_14] : memref<26x128xi32, #tpu.memory_space<vmem>> -> memref<1x128xi32, #tpu.memory_space<vmem>>
    %dma_start3A_16 = tpu.memref_squeeze %dma_start3A_15 : memref<1x128xi32, #tpu.memory_space<vmem>> -> memref<128xi32, #tpu.memory_space<vmem>>
    %dma_start3A_17 = arith.constant 0 : i32
    %dma_start3A_18 = arith.constant 0 : i32
    %dma_start3A_19 = tpu.memref_slice %arg2[%dma_start3A_17, %dma_start3A_18] : memref<650000x128xf32, #tpu.memory_space<hbm>> -> memref<650000x128xf32, #tpu.memory_space<hbm>>
    %dma_start3A_20 = tpu.memref_slice %arg12[%dma_start3A_13] : memref<6x!tpu.dma_semaphore, #tpu.memory_space<semaphore_mem>> -> memref<1x!tpu.dma_semaphore, #tpu.memory_space<semaphore_mem>>
    %dma_start3A_21 = tpu.memref_squeeze %dma_start3A_20 : memref<1x!tpu.dma_semaphore, #tpu.memory_space<semaphore_mem>> -> memref<!tpu.dma_semaphore, #tpu.memory_space<semaphore_mem>>
    tpu.enqueue_indirect_dma source(%dma_start3A_19 : memref<650000x128xf32, #tpu.memory_space<hbm>>) target(%arg7 : memref<128x128xf32, #tpu.memory_space<vmem>>) offsets(%dma_start3A_16 : memref<128xi32, #tpu.memory_space<vmem>>) semaphore(%dma_start3A_21 : memref<!tpu.dma_semaphore, #tpu.memory_space<semaphore_mem>>)
    %dma_start3A_22 = arith.constant 2 : i32
    %dma_start3A_23 = arith.constant 2 : i32
    %dma_start3A_24 = arith.constant 0 : i32
    %dma_start3A_25 = tpu.memref_slice %arg5[%dma_start3A_22, %dma_start3A_24] : memref<26x128xi32, #tpu.memory_space<vmem>> -> memref<1x128xi32, #tpu.memory_space<vmem>>
    %dma_start3A_26 = tpu.memref_squeeze %dma_start3A_25 : memref<1x128xi32, #tpu.memory_space<vmem>> -> memref<128xi32, #tpu.memory_space<vmem>>
    %dma_start3A_27 = arith.constant 0 : i32
    %dma_start3A_28 = arith.constant 0 : i32
    %dma_start3A_29 = tpu.memref_slice %arg2[%dma_start3A_27, %dma_start3A_28] : memref<650000x128xf32, #tpu.memory_space<hbm>> -> memref<650000x128xf32, #tpu.memory_space<hbm>>
    %dma_start3A_30 = tpu.memref_slice %arg12[%dma_start3A_23] : memref<6x!tpu.dma_semaphore, #tpu.memory_space<semaphore_mem>> -> memref<1x!tpu.dma_semaphore, #tpu.memory_space<semaphore_mem>>
    %dma_start3A_31 = tpu.memref_squeeze %dma_start3A_30 : memref<1x!tpu.dma_semaphore, #tpu.memory_space<semaphore_mem>> -> memref<!tpu.dma_semaphore, #tpu.memory_space<semaphore_mem>>
    tpu.enqueue_indirect_dma source(%dma_start3A_29 : memref<650000x128xf32, #tpu.memory_space<hbm>>) target(%arg8 : memref<128x128xf32, #tpu.memory_space<vmem>>) offsets(%dma_start3A_26 : memref<128xi32, #tpu.memory_space<vmem>>) semaphore(%dma_start3A_31 : memref<!tpu.dma_semaphore, #tpu.memory_space<semaphore_mem>>)
    %dma_start3A_32 = arith.constant 3 : i32
    %dma_start3A_33 = arith.constant 3 : i32
    %dma_start3A_34 = arith.constant 0 : i32
    %dma_start3A_35 = tpu.memref_slice %arg5[%dma_start3A_32, %dma_start3A_34] : memref<26x128xi32, #tpu.memory_space<vmem>> -> memref<1x128xi32, #tpu.memory_space<vmem>>
    %dma_start3A_36 = tpu.memref_squeeze %dma_start3A_35 : memref<1x128xi32, #tpu.memory_space<vmem>> -> memref<128xi32, #tpu.memory_space<vmem>>
    %dma_start3A_37 = arith.constant 0 : i32
    %dma_start3A_38 = arith.constant 0 : i32
    %dma_start3A_39 = tpu.memref_slice %arg2[%dma_start3A_37, %dma_start3A_38] : memref<650000x128xf32, #tpu.memory_space<hbm>> -> memref<650000x128xf32, #tpu.memory_space<hbm>>
    %dma_start3A_40 = tpu.memref_slice %arg12[%dma_start3A_33] : memref<6x!tpu.dma_semaphore, #tpu.memory_space<semaphore_mem>> -> memref<1x!tpu.dma_semaphore, #tpu.memory_space<semaphore_mem>>
    %dma_start3A_41 = tpu.memref_squeeze %dma_start3A_40 : memref<1x!tpu.dma_semaphore, #tpu.memory_space<semaphore_mem>> -> memref<!tpu.dma_semaphore, #tpu.memory_space<semaphore_mem>>
    tpu.enqueue_indirect_dma source(%dma_start3A_39 : memref<650000x128xf32, #tpu.memory_space<hbm>>) target(%arg9 : memref<128x128xf32, #tpu.memory_space<vmem>>) offsets(%dma_start3A_36 : memref<128xi32, #tpu.memory_space<vmem>>) semaphore(%dma_start3A_41 : memref<!tpu.dma_semaphore, #tpu.memory_space<semaphore_mem>>)
    %dma_start3A_42 = arith.constant 4 : i32
    %dma_start3A_43 = arith.constant 4 : i32
    %dma_start3A_44 = arith.constant 0 : i32
    %dma_start3A_45 = tpu.memref_slice %arg5[%dma_start3A_42, %dma_start3A_44] : memref<26x128xi32, #tpu.memory_space<vmem>> -> memref<1x128xi32, #tpu.memory_space<vmem>>
    %dma_start3A_46 = tpu.memref_squeeze %dma_start3A_45 : memref<1x128xi32, #tpu.memory_space<vmem>> -> memref<128xi32, #tpu.memory_space<vmem>>
    %dma_start3A_47 = arith.constant 0 : i32
    %dma_start3A_48 = arith.constant 0 : i32
    %dma_start3A_49 = tpu.memref_slice %arg2[%dma_start3A_47, %dma_start3A_48] : memref<650000x128xf32, #tpu.memory_space<hbm>> -> memref<650000x128xf32, #tpu.memory_space<hbm>>
    %dma_start3A_50 = tpu.memref_slice %arg12[%dma_start3A_43] : memref<6x!tpu.dma_semaphore, #tpu.memory_space<semaphore_mem>> -> memref<1x!tpu.dma_semaphore, #tpu.memory_space<semaphore_mem>>
    %dma_start3A_51 = tpu.memref_squeeze %dma_start3A_50 : memref<1x!tpu.dma_semaphore, #tpu.memory_space<semaphore_mem>> -> memref<!tpu.dma_semaphore, #tpu.memory_space<semaphore_mem>>
    tpu.enqueue_indirect_dma source(%dma_start3A_49 : memref<650000x128xf32, #tpu.memory_space<hbm>>) target(%arg10 : memref<128x128xf32, #tpu.memory_space<vmem>>) offsets(%dma_start3A_46 : memref<128xi32, #tpu.memory_space<vmem>>) semaphore(%dma_start3A_51 : memref<!tpu.dma_semaphore, #tpu.memory_space<semaphore_mem>>)
    %dma_start3A_52 = arith.constant 5 : i32
    %dma_start3A_53 = arith.constant 5 : i32
    %dma_start3A_54 = arith.constant 0 : i32
    %dma_start3A_55 = tpu.memref_slice %arg5[%dma_start3A_52, %dma_start3A_54] : memref<26x128xi32, #tpu.memory_space<vmem>> -> memref<1x128xi32, #tpu.memory_space<vmem>>
    %dma_start3A_56 = tpu.memref_squeeze %dma_start3A_55 : memref<1x128xi32, #tpu.memory_space<vmem>> -> memref<128xi32, #tpu.memory_space<vmem>>
    %dma_start3A_57 = arith.constant 0 : i32
    %dma_start3A_58 = arith.constant 0 : i32
    %dma_start3A_59 = tpu.memref_slice %arg2[%dma_start3A_57, %dma_start3A_58] : memref<650000x128xf32, #tpu.memory_space<hbm>> -> memref<650000x128xf32, #tpu.memory_space<hbm>>
    %dma_start3A_60 = tpu.memref_slice %arg12[%dma_start3A_53] : memref<6x!tpu.dma_semaphore, #tpu.memory_space<semaphore_mem>> -> memref<1x!tpu.dma_semaphore, #tpu.memory_space<semaphore_mem>>
    %dma_start3A_61 = tpu.memref_squeeze %dma_start3A_60 : memref<1x!tpu.dma_semaphore, #tpu.memory_space<semaphore_mem>> -> memref<!tpu.dma_semaphore, #tpu.memory_space<semaphore_mem>>
    tpu.enqueue_indirect_dma source(%dma_start3A_59 : memref<650000x128xf32, #tpu.memory_space<hbm>>) target(%arg11 : memref<128x128xf32, #tpu.memory_space<vmem>>) offsets(%dma_start3A_56 : memref<128xi32, #tpu.memory_space<vmem>>) semaphore(%dma_start3A_61 : memref<!tpu.dma_semaphore, #tpu.memory_space<semaphore_mem>>)
    %scan3A = arith.constant 0 : i32
    %scan3A_62 = arith.constant 0 : i32
    %scan3A_63 = arith.constant 4 : i32
    %scan3A_64 = arith.addi %scan3A_62, %scan3A_63 : i32
    %scan3A_65 = arith.constant 1 : i32
    scf.for %scan3A_90 = %scan3A_62 to %scan3A_64 step %scan3A_65  : i32 {
      %mul3A_91 = arith.constant 6 : i32
      %mul3A_92 = arith.muli %scan3A_90, %mul3A_91 : i32
      %add3A_93 = arith.constant 0 : i32
      %add3A_94 = arith.addi %mul3A_92, %add3A_93 : i32
      %dma_wait3A_95 = arith.constant 0 : i32
      %dma_wait3A_96 = arith.constant 0 : i32
      %dma_wait3A_97 = arith.constant 0 : i32
      %dma_wait3A_98 = tpu.memref_slice %arg5[%dma_wait3A_95, %dma_wait3A_97] : memref<26x128xi32, #tpu.memory_space<vmem>> -> memref<1x128xi32, #tpu.memory_space<vmem>>
      %dma_wait3A_99 = tpu.memref_squeeze %dma_wait3A_98 : memref<1x128xi32, #tpu.memory_space<vmem>> -> memref<128xi32, #tpu.memory_space<vmem>>
      %dma_wait3A_100 = arith.constant 0 : i32
      %dma_wait3A_101 = arith.constant 0 : i32
      %dma_wait3A_102 = tpu.memref_slice %arg2[%dma_wait3A_100, %dma_wait3A_101] : memref<650000x128xf32, #tpu.memory_space<hbm>> -> memref<650000x128xf32, #tpu.memory_space<hbm>>
      %dma_wait3A_103 = tpu.memref_slice %arg12[%dma_wait3A_96] : memref<6x!tpu.dma_semaphore, #tpu.memory_space<semaphore_mem>> -> memref<1x!tpu.dma_semaphore, #tpu.memory_space<semaphore_mem>>
      %dma_wait3A_104 = tpu.memref_squeeze %dma_wait3A_103 : memref<1x!tpu.dma_semaphore, #tpu.memory_space<semaphore_mem>> -> memref<!tpu.dma_semaphore, #tpu.memory_space<semaphore_mem>>
      tpu.wait_indirect_dma semaphore(%dma_wait3A_104 : memref<!tpu.dma_semaphore, #tpu.memory_space<semaphore_mem>>) src(%dma_wait3A_102 : memref<650000x128xf32, #tpu.memory_space<hbm>>) dst(%arg6 : memref<128x128xf32, #tpu.memory_space<vmem>>)
      %mul3A_105 = arith.constant 128 : i32
      %mul3A_106 = arith.muli %add3A_94, %mul3A_105 : i32
      %add3A_107 = arith.addi %mul3A_2, %mul3A_106 : i32
      "tpu.region"() ({
        %run_scoped3A = tpu.sem_alloc : memref<!tpu.dma_semaphore, #tpu.memory_space<semaphore_mem>>
        %dma_start3A_232 = arith.constant 0 : i32
        %dma_start3A_233 = tpu.memref_slice %arg4[%add3A_107, %dma_start3A_232] : memref<106496x128xf32, #tpu.memory_space<hbm>> -> memref<128x128xf32, #tpu.memory_space<hbm>>
        %dma_start3A_234 = arith.constant 0 : i32
        %dma_start3A_235 = tpu.memref_slice %arg4[%add3A_107, %dma_start3A_234] : memref<106496x128xf32, #tpu.memory_space<hbm>> -> memref<128x128xf32, #tpu.memory_space<hbm>>
        tpu.enqueue_dma source(%arg6 : memref<128x128xf32, #tpu.memory_space<vmem>>) target(%dma_start3A_235 : memref<128x128xf32, #tpu.memory_space<hbm>>) target_semaphore(%run_scoped3A : memref<!tpu.dma_semaphore, #tpu.memory_space<semaphore_mem>>)
        %dma_wait3A_236 = arith.constant 0 : i32
        %dma_wait3A_237 = tpu.memref_slice %arg4[%add3A_107, %dma_wait3A_236] : memref<106496x128xf32, #tpu.memory_space<hbm>> -> memref<128x128xf32, #tpu.memory_space<hbm>>
        %dma_wait3A_238 = arith.constant 0 : i32
        %dma_wait3A_239 = tpu.memref_slice %arg4[%add3A_107, %dma_wait3A_238] : memref<106496x128xf32, #tpu.memory_space<hbm>> -> memref<128x128xf32, #tpu.memory_space<hbm>>
        tpu.wait_dma2 semaphore(%run_scoped3A : memref<!tpu.dma_semaphore, #tpu.memory_space<semaphore_mem>>) src(%arg6 : memref<128x128xf32, #tpu.memory_space<vmem>>) dst(%dma_wait3A_239 : memref<128x128xf32, #tpu.memory_space<hbm>>)
        tpu.yield
      }) : () -> ()
      %add3A_108 = arith.constant 6 : i32
      %add3A_109 = arith.addi %add3A_94, %add3A_108 : i32
      %lt3A = arith.constant 26 : i32
      %lt3A_110 = arith.cmpi slt, %add3A_109, %lt3A : i32
      %convert_element_type3A = arith.extui %lt3A_110 : i1 to i32
      %cond3A = arith.constant 0 : i32
      %cond3A_111 = arith.cmpi ne, %convert_element_type3A, %cond3A : i32
      scf.if %cond3A_111 {
        %add3A_232 = arith.constant 6 : i32
        %add3A_233 = arith.addi %add3A_94, %add3A_232 : i32
        %dma_start3A_234 = arith.constant 0 : i32
        %dma_start3A_235 = arith.constant 0 : i32
        %dma_start3A_236 = tpu.memref_slice %arg5[%add3A_233, %dma_start3A_235] : memref<26x128xi32, #tpu.memory_space<vmem>> -> memref<1x128xi32, #tpu.memory_space<vmem>>
        %dma_start3A_237 = tpu.memref_squeeze %dma_start3A_236 : memref<1x128xi32, #tpu.memory_space<vmem>> -> memref<128xi32, #tpu.memory_space<vmem>>
        %dma_start3A_238 = arith.constant 0 : i32
        %dma_start3A_239 = arith.constant 0 : i32
        %dma_start3A_240 = tpu.memref_slice %arg2[%dma_start3A_238, %dma_start3A_239] : memref<650000x128xf32, #tpu.memory_space<hbm>> -> memref<650000x128xf32, #tpu.memory_space<hbm>>
        %dma_start3A_241 = tpu.memref_slice %arg12[%dma_start3A_234] : memref<6x!tpu.dma_semaphore, #tpu.memory_space<semaphore_mem>> -> memref<1x!tpu.dma_semaphore, #tpu.memory_space<semaphore_mem>>
        %dma_start3A_242 = tpu.memref_squeeze %dma_start3A_241 : memref<1x!tpu.dma_semaphore, #tpu.memory_space<semaphore_mem>> -> memref<!tpu.dma_semaphore, #tpu.memory_space<semaphore_mem>>
        tpu.enqueue_indirect_dma source(%dma_start3A_240 : memref<650000x128xf32, #tpu.memory_space<hbm>>) target(%arg6 : memref<128x128xf32, #tpu.memory_space<vmem>>) offsets(%dma_start3A_237 : memref<128xi32, #tpu.memory_space<vmem>>) semaphore(%dma_start3A_242 : memref<!tpu.dma_semaphore, #tpu.memory_space<semaphore_mem>>)
      } else {
      }
      %mul3A_112 = arith.constant 6 : i32
      %mul3A_113 = arith.muli %scan3A_90, %mul3A_112 : i32
      %add3A_114 = arith.constant 1 : i32
      %add3A_115 = arith.addi %mul3A_113, %add3A_114 : i32
      %dma_wait3A_116 = arith.constant 0 : i32
      %dma_wait3A_117 = arith.constant 1 : i32
      %dma_wait3A_118 = arith.constant 0 : i32
      %dma_wait3A_119 = tpu.memref_slice %arg5[%dma_wait3A_116, %dma_wait3A_118] : memref<26x128xi32, #tpu.memory_space<vmem>> -> memref<1x128xi32, #tpu.memory_space<vmem>>
      %dma_wait3A_120 = tpu.memref_squeeze %dma_wait3A_119 : memref<1x128xi32, #tpu.memory_space<vmem>> -> memref<128xi32, #tpu.memory_space<vmem>>
      %dma_wait3A_121 = arith.constant 0 : i32
      %dma_wait3A_122 = arith.constant 0 : i32
      %dma_wait3A_123 = tpu.memref_slice %arg2[%dma_wait3A_121, %dma_wait3A_122] : memref<650000x128xf32, #tpu.memory_space<hbm>> -> memref<650000x128xf32, #tpu.memory_space<hbm>>
      %dma_wait3A_124 = tpu.memref_slice %arg12[%dma_wait3A_117] : memref<6x!tpu.dma_semaphore, #tpu.memory_space<semaphore_mem>> -> memref<1x!tpu.dma_semaphore, #tpu.memory_space<semaphore_mem>>
      %dma_wait3A_125 = tpu.memref_squeeze %dma_wait3A_124 : memref<1x!tpu.dma_semaphore, #tpu.memory_space<semaphore_mem>> -> memref<!tpu.dma_semaphore, #tpu.memory_space<semaphore_mem>>
      tpu.wait_indirect_dma semaphore(%dma_wait3A_125 : memref<!tpu.dma_semaphore, #tpu.memory_space<semaphore_mem>>) src(%dma_wait3A_123 : memref<650000x128xf32, #tpu.memory_space<hbm>>) dst(%arg7 : memref<128x128xf32, #tpu.memory_space<vmem>>)
      %mul3A_126 = arith.constant 128 : i32
      %mul3A_127 = arith.muli %add3A_115, %mul3A_126 : i32
      %add3A_128 = arith.addi %mul3A_2, %mul3A_127 : i32
      "tpu.region"() ({
        %run_scoped3A = tpu.sem_alloc : memref<!tpu.dma_semaphore, #tpu.memory_space<semaphore_mem>>
        %dma_start3A_232 = arith.constant 0 : i32
        %dma_start3A_233 = tpu.memref_slice %arg4[%add3A_128, %dma_start3A_232] : memref<106496x128xf32, #tpu.memory_space<hbm>> -> memref<128x128xf32, #tpu.memory_space<hbm>>
        %dma_start3A_234 = arith.constant 0 : i32
        %dma_start3A_235 = tpu.memref_slice %arg4[%add3A_128, %dma_start3A_234] : memref<106496x128xf32, #tpu.memory_space<hbm>> -> memref<128x128xf32, #tpu.memory_space<hbm>>
        tpu.enqueue_dma source(%arg7 : memref<128x128xf32, #tpu.memory_space<vmem>>) target(%dma_start3A_235 : memref<128x128xf32, #tpu.memory_space<hbm>>) target_semaphore(%run_scoped3A : memref<!tpu.dma_semaphore, #tpu.memory_space<semaphore_mem>>)
        %dma_wait3A_236 = arith.constant 0 : i32
        %dma_wait3A_237 = tpu.memref_slice %arg4[%add3A_128, %dma_wait3A_236] : memref<106496x128xf32, #tpu.memory_space<hbm>> -> memref<128x128xf32, #tpu.memory_space<hbm>>
        %dma_wait3A_238 = arith.constant 0 : i32
        %dma_wait3A_239 = tpu.memref_slice %arg4[%add3A_128, %dma_wait3A_238] : memref<106496x128xf32, #tpu.memory_space<hbm>> -> memref<128x128xf32, #tpu.memory_space<hbm>>
        tpu.wait_dma2 semaphore(%run_scoped3A : memref<!tpu.dma_semaphore, #tpu.memory_space<semaphore_mem>>) src(%arg7 : memref<128x128xf32, #tpu.memory_space<vmem>>) dst(%dma_wait3A_239 : memref<128x128xf32, #tpu.memory_space<hbm>>)
        tpu.yield
      }) : () -> ()
      %add3A_129 = arith.constant 6 : i32
      %add3A_130 = arith.addi %add3A_115, %add3A_129 : i32
      %lt3A_131 = arith.constant 26 : i32
      %lt3A_132 = arith.cmpi slt, %add3A_130, %lt3A_131 : i32
      %convert_element_type3A_133 = arith.extui %lt3A_132 : i1 to i32
      %cond3A_134 = arith.constant 0 : i32
      %cond3A_135 = arith.cmpi ne, %convert_element_type3A_133, %cond3A_134 : i32
      scf.if %cond3A_135 {
        %add3A_232 = arith.constant 6 : i32
        %add3A_233 = arith.addi %add3A_115, %add3A_232 : i32
        %dma_start3A_234 = arith.constant 1 : i32
        %dma_start3A_235 = arith.constant 0 : i32
        %dma_start3A_236 = tpu.memref_slice %arg5[%add3A_233, %dma_start3A_235] : memref<26x128xi32, #tpu.memory_space<vmem>> -> memref<1x128xi32, #tpu.memory_space<vmem>>
        %dma_start3A_237 = tpu.memref_squeeze %dma_start3A_236 : memref<1x128xi32, #tpu.memory_space<vmem>> -> memref<128xi32, #tpu.memory_space<vmem>>
        %dma_start3A_238 = arith.constant 0 : i32
        %dma_start3A_239 = arith.constant 0 : i32
        %dma_start3A_240 = tpu.memref_slice %arg2[%dma_start3A_238, %dma_start3A_239] : memref<650000x128xf32, #tpu.memory_space<hbm>> -> memref<650000x128xf32, #tpu.memory_space<hbm>>
        %dma_start3A_241 = tpu.memref_slice %arg12[%dma_start3A_234] : memref<6x!tpu.dma_semaphore, #tpu.memory_space<semaphore_mem>> -> memref<1x!tpu.dma_semaphore, #tpu.memory_space<semaphore_mem>>
        %dma_start3A_242 = tpu.memref_squeeze %dma_start3A_241 : memref<1x!tpu.dma_semaphore, #tpu.memory_space<semaphore_mem>> -> memref<!tpu.dma_semaphore, #tpu.memory_space<semaphore_mem>>
        tpu.enqueue_indirect_dma source(%dma_start3A_240 : memref<650000x128xf32, #tpu.memory_space<hbm>>) target(%arg7 : memref<128x128xf32, #tpu.memory_space<vmem>>) offsets(%dma_start3A_237 : memref<128xi32, #tpu.memory_space<vmem>>) semaphore(%dma_start3A_242 : memref<!tpu.dma_semaphore, #tpu.memory_space<semaphore_mem>>)
      } else {
      }
      %mul3A_136 = arith.constant 6 : i32
      %mul3A_137 = arith.muli %scan3A_90, %mul3A_136 : i32
      %add3A_138 = arith.constant 2 : i32
      %add3A_139 = arith.addi %mul3A_137, %add3A_138 : i32
      %dma_wait3A_140 = arith.constant 0 : i32
      %dma_wait3A_141 = arith.constant 2 : i32
      %dma_wait3A_142 = arith.constant 0 : i32
      %dma_wait3A_143 = tpu.memref_slice %arg5[%dma_wait3A_140, %dma_wait3A_142] : memref<26x128xi32, #tpu.memory_space<vmem>> -> memref<1x128xi32, #tpu.memory_space<vmem>>
      %dma_wait3A_144 = tpu.memref_squeeze %dma_wait3A_143 : memref<1x128xi32, #tpu.memory_space<vmem>> -> memref<128xi32, #tpu.memory_space<vmem>>
      %dma_wait3A_145 = arith.constant 0 : i32
      %dma_wait3A_146 = arith.constant 0 : i32
      %dma_wait3A_147 = tpu.memref_slice %arg2[%dma_wait3A_145, %dma_wait3A_146] : memref<650000x128xf32, #tpu.memory_space<hbm>> -> memref<650000x128xf32, #tpu.memory_space<hbm>>
      %dma_wait3A_148 = tpu.memref_slice %arg12[%dma_wait3A_141] : memref<6x!tpu.dma_semaphore, #tpu.memory_space<semaphore_mem>> -> memref<1x!tpu.dma_semaphore, #tpu.memory_space<semaphore_mem>>
      %dma_wait3A_149 = tpu.memref_squeeze %dma_wait3A_148 : memref<1x!tpu.dma_semaphore, #tpu.memory_space<semaphore_mem>> -> memref<!tpu.dma_semaphore, #tpu.memory_space<semaphore_mem>>
      tpu.wait_indirect_dma semaphore(%dma_wait3A_149 : memref<!tpu.dma_semaphore, #tpu.memory_space<semaphore_mem>>) src(%dma_wait3A_147 : memref<650000x128xf32, #tpu.memory_space<hbm>>) dst(%arg8 : memref<128x128xf32, #tpu.memory_space<vmem>>)
      %mul3A_150 = arith.constant 128 : i32
      %mul3A_151 = arith.muli %add3A_139, %mul3A_150 : i32
      %add3A_152 = arith.addi %mul3A_2, %mul3A_151 : i32
      "tpu.region"() ({
        %run_scoped3A = tpu.sem_alloc : memref<!tpu.dma_semaphore, #tpu.memory_space<semaphore_mem>>
        %dma_start3A_232 = arith.constant 0 : i32
        %dma_start3A_233 = tpu.memref_slice %arg4[%add3A_152, %dma_start3A_232] : memref<106496x128xf32, #tpu.memory_space<hbm>> -> memref<128x128xf32, #tpu.memory_space<hbm>>
        %dma_start3A_234 = arith.constant 0 : i32
        %dma_start3A_235 = tpu.memref_slice %arg4[%add3A_152, %dma_start3A_234] : memref<106496x128xf32, #tpu.memory_space<hbm>> -> memref<128x128xf32, #tpu.memory_space<hbm>>
        tpu.enqueue_dma source(%arg8 : memref<128x128xf32, #tpu.memory_space<vmem>>) target(%dma_start3A_235 : memref<128x128xf32, #tpu.memory_space<hbm>>) target_semaphore(%run_scoped3A : memref<!tpu.dma_semaphore, #tpu.memory_space<semaphore_mem>>)
        %dma_wait3A_236 = arith.constant 0 : i32
        %dma_wait3A_237 = tpu.memref_slice %arg4[%add3A_152, %dma_wait3A_236] : memref<106496x128xf32, #tpu.memory_space<hbm>> -> memref<128x128xf32, #tpu.memory_space<hbm>>
        %dma_wait3A_238 = arith.constant 0 : i32
        %dma_wait3A_239 = tpu.memref_slice %arg4[%add3A_152, %dma_wait3A_238] : memref<106496x128xf32, #tpu.memory_space<hbm>> -> memref<128x128xf32, #tpu.memory_space<hbm>>
        tpu.wait_dma2 semaphore(%run_scoped3A : memref<!tpu.dma_semaphore, #tpu.memory_space<semaphore_mem>>) src(%arg8 : memref<128x128xf32, #tpu.memory_space<vmem>>) dst(%dma_wait3A_239 : memref<128x128xf32, #tpu.memory_space<hbm>>)
        tpu.yield
      }) : () -> ()
      %add3A_153 = arith.constant 6 : i32
      %add3A_154 = arith.addi %add3A_139, %add3A_153 : i32
      %lt3A_155 = arith.constant 26 : i32
      %lt3A_156 = arith.cmpi slt, %add3A_154, %lt3A_155 : i32
      %convert_element_type3A_157 = arith.extui %lt3A_156 : i1 to i32
      %cond3A_158 = arith.constant 0 : i32
      %cond3A_159 = arith.cmpi ne, %convert_element_type3A_157, %cond3A_158 : i32
      scf.if %cond3A_159 {
        %add3A_232 = arith.constant 6 : i32
        %add3A_233 = arith.addi %add3A_139, %add3A_232 : i32
        %dma_start3A_234 = arith.constant 2 : i32
        %dma_start3A_235 = arith.constant 0 : i32
        %dma_start3A_236 = tpu.memref_slice %arg5[%add3A_233, %dma_start3A_235] : memref<26x128xi32, #tpu.memory_space<vmem>> -> memref<1x128xi32, #tpu.memory_space<vmem>>
        %dma_start3A_237 = tpu.memref_squeeze %dma_start3A_236 : memref<1x128xi32, #tpu.memory_space<vmem>> -> memref<128xi32, #tpu.memory_space<vmem>>
        %dma_start3A_238 = arith.constant 0 : i32
        %dma_start3A_239 = arith.constant 0 : i32
        %dma_start3A_240 = tpu.memref_slice %arg2[%dma_start3A_238, %dma_start3A_239] : memref<650000x128xf32, #tpu.memory_space<hbm>> -> memref<650000x128xf32, #tpu.memory_space<hbm>>
        %dma_start3A_241 = tpu.memref_slice %arg12[%dma_start3A_234] : memref<6x!tpu.dma_semaphore, #tpu.memory_space<semaphore_mem>> -> memref<1x!tpu.dma_semaphore, #tpu.memory_space<semaphore_mem>>
        %dma_start3A_242 = tpu.memref_squeeze %dma_start3A_241 : memref<1x!tpu.dma_semaphore, #tpu.memory_space<semaphore_mem>> -> memref<!tpu.dma_semaphore, #tpu.memory_space<semaphore_mem>>
        tpu.enqueue_indirect_dma source(%dma_start3A_240 : memref<650000x128xf32, #tpu.memory_space<hbm>>) target(%arg8 : memref<128x128xf32, #tpu.memory_space<vmem>>) offsets(%dma_start3A_237 : memref<128xi32, #tpu.memory_space<vmem>>) semaphore(%dma_start3A_242 : memref<!tpu.dma_semaphore, #tpu.memory_space<semaphore_mem>>)
      } else {
      }
      %mul3A_160 = arith.constant 6 : i32
      %mul3A_161 = arith.muli %scan3A_90, %mul3A_160 : i32
      %add3A_162 = arith.constant 3 : i32
      %add3A_163 = arith.addi %mul3A_161, %add3A_162 : i32
      %dma_wait3A_164 = arith.constant 0 : i32
      %dma_wait3A_165 = arith.constant 3 : i32
      %dma_wait3A_166 = arith.constant 0 : i32
      %dma_wait3A_167 = tpu.memref_slice %arg5[%dma_wait3A_164, %dma_wait3A_166] : memref<26x128xi32, #tpu.memory_space<vmem>> -> memref<1x128xi32, #tpu.memory_space<vmem>>
      %dma_wait3A_168 = tpu.memref_squeeze %dma_wait3A_167 : memref<1x128xi32, #tpu.memory_space<vmem>> -> memref<128xi32, #tpu.memory_space<vmem>>
      %dma_wait3A_169 = arith.constant 0 : i32
      %dma_wait3A_170 = arith.constant 0 : i32
      %dma_wait3A_171 = tpu.memref_slice %arg2[%dma_wait3A_169, %dma_wait3A_170] : memref<650000x128xf32, #tpu.memory_space<hbm>> -> memref<650000x128xf32, #tpu.memory_space<hbm>>
      %dma_wait3A_172 = tpu.memref_slice %arg12[%dma_wait3A_165] : memref<6x!tpu.dma_semaphore, #tpu.memory_space<semaphore_mem>> -> memref<1x!tpu.dma_semaphore, #tpu.memory_space<semaphore_mem>>
      %dma_wait3A_173 = tpu.memref_squeeze %dma_wait3A_172 : memref<1x!tpu.dma_semaphore, #tpu.memory_space<semaphore_mem>> -> memref<!tpu.dma_semaphore, #tpu.memory_space<semaphore_mem>>
      tpu.wait_indirect_dma semaphore(%dma_wait3A_173 : memref<!tpu.dma_semaphore, #tpu.memory_space<semaphore_mem>>) src(%dma_wait3A_171 : memref<650000x128xf32, #tpu.memory_space<hbm>>) dst(%arg9 : memref<128x128xf32, #tpu.memory_space<vmem>>)
      %mul3A_174 = arith.constant 128 : i32
      %mul3A_175 = arith.muli %add3A_163, %mul3A_174 : i32
      %add3A_176 = arith.addi %mul3A_2, %mul3A_175 : i32
      "tpu.region"() ({
        %run_scoped3A = tpu.sem_alloc : memref<!tpu.dma_semaphore, #tpu.memory_space<semaphore_mem>>
        %dma_start3A_232 = arith.constant 0 : i32
        %dma_start3A_233 = tpu.memref_slice %arg4[%add3A_176, %dma_start3A_232] : memref<106496x128xf32, #tpu.memory_space<hbm>> -> memref<128x128xf32, #tpu.memory_space<hbm>>
        %dma_start3A_234 = arith.constant 0 : i32
        %dma_start3A_235 = tpu.memref_slice %arg4[%add3A_176, %dma_start3A_234] : memref<106496x128xf32, #tpu.memory_space<hbm>> -> memref<128x128xf32, #tpu.memory_space<hbm>>
        tpu.enqueue_dma source(%arg9 : memref<128x128xf32, #tpu.memory_space<vmem>>) target(%dma_start3A_235 : memref<128x128xf32, #tpu.memory_space<hbm>>) target_semaphore(%run_scoped3A : memref<!tpu.dma_semaphore, #tpu.memory_space<semaphore_mem>>)
        %dma_wait3A_236 = arith.constant 0 : i32
        %dma_wait3A_237 = tpu.memref_slice %arg4[%add3A_176, %dma_wait3A_236] : memref<106496x128xf32, #tpu.memory_space<hbm>> -> memref<128x128xf32, #tpu.memory_space<hbm>>
        %dma_wait3A_238 = arith.constant 0 : i32
        %dma_wait3A_239 = tpu.memref_slice %arg4[%add3A_176, %dma_wait3A_238] : memref<106496x128xf32, #tpu.memory_space<hbm>> -> memref<128x128xf32, #tpu.memory_space<hbm>>
        tpu.wait_dma2 semaphore(%run_scoped3A : memref<!tpu.dma_semaphore, #tpu.memory_space<semaphore_mem>>) src(%arg9 : memref<128x128xf32, #tpu.memory_space<vmem>>) dst(%dma_wait3A_239 : memref<128x128xf32, #tpu.memory_space<hbm>>)
        tpu.yield
      }) : () -> ()
      %add3A_177 = arith.constant 6 : i32
      %add3A_178 = arith.addi %add3A_163, %add3A_177 : i32
      %lt3A_179 = arith.constant 26 : i32
      %lt3A_180 = arith.cmpi slt, %add3A_178, %lt3A_179 : i32
      %convert_element_type3A_181 = arith.extui %lt3A_180 : i1 to i32
      %cond3A_182 = arith.constant 0 : i32
      %cond3A_183 = arith.cmpi ne, %convert_element_type3A_181, %cond3A_182 : i32
      scf.if %cond3A_183 {
        %add3A_232 = arith.constant 6 : i32
        %add3A_233 = arith.addi %add3A_163, %add3A_232 : i32
        %dma_start3A_234 = arith.constant 3 : i32
        %dma_start3A_235 = arith.constant 0 : i32
        %dma_start3A_236 = tpu.memref_slice %arg5[%add3A_233, %dma_start3A_235] : memref<26x128xi32, #tpu.memory_space<vmem>> -> memref<1x128xi32, #tpu.memory_space<vmem>>
        %dma_start3A_237 = tpu.memref_squeeze %dma_start3A_236 : memref<1x128xi32, #tpu.memory_space<vmem>> -> memref<128xi32, #tpu.memory_space<vmem>>
        %dma_start3A_238 = arith.constant 0 : i32
        %dma_start3A_239 = arith.constant 0 : i32
        %dma_start3A_240 = tpu.memref_slice %arg2[%dma_start3A_238, %dma_start3A_239] : memref<650000x128xf32, #tpu.memory_space<hbm>> -> memref<650000x128xf32, #tpu.memory_space<hbm>>
        %dma_start3A_241 = tpu.memref_slice %arg12[%dma_start3A_234] : memref<6x!tpu.dma_semaphore, #tpu.memory_space<semaphore_mem>> -> memref<1x!tpu.dma_semaphore, #tpu.memory_space<semaphore_mem>>
        %dma_start3A_242 = tpu.memref_squeeze %dma_start3A_241 : memref<1x!tpu.dma_semaphore, #tpu.memory_space<semaphore_mem>> -> memref<!tpu.dma_semaphore, #tpu.memory_space<semaphore_mem>>
        tpu.enqueue_indirect_dma source(%dma_start3A_240 : memref<650000x128xf32, #tpu.memory_space<hbm>>) target(%arg9 : memref<128x128xf32, #tpu.memory_space<vmem>>) offsets(%dma_start3A_237 : memref<128xi32, #tpu.memory_space<vmem>>) semaphore(%dma_start3A_242 : memref<!tpu.dma_semaphore, #tpu.memory_space<semaphore_mem>>)
      } else {
      }
      %mul3A_184 = arith.constant 6 : i32
      %mul3A_185 = arith.muli %scan3A_90, %mul3A_184 : i32
      %add3A_186 = arith.constant 4 : i32
      %add3A_187 = arith.addi %mul3A_185, %add3A_186 : i32
      %dma_wait3A_188 = arith.constant 0 : i32
      %dma_wait3A_189 = arith.constant 4 : i32
      %dma_wait3A_190 = arith.constant 0 : i32
      %dma_wait3A_191 = tpu.memref_slice %arg5[%dma_wait3A_188, %dma_wait3A_190] : memref<26x128xi32, #tpu.memory_space<vmem>> -> memref<1x128xi32, #tpu.memory_space<vmem>>
      %dma_wait3A_192 = tpu.memref_squeeze %dma_wait3A_191 : memref<1x128xi32, #tpu.memory_space<vmem>> -> memref<128xi32, #tpu.memory_space<vmem>>
      %dma_wait3A_193 = arith.constant 0 : i32
      %dma_wait3A_194 = arith.constant 0 : i32
      %dma_wait3A_195 = tpu.memref_slice %arg2[%dma_wait3A_193, %dma_wait3A_194] : memref<650000x128xf32, #tpu.memory_space<hbm>> -> memref<650000x128xf32, #tpu.memory_space<hbm>>
      %dma_wait3A_196 = tpu.memref_slice %arg12[%dma_wait3A_189] : memref<6x!tpu.dma_semaphore, #tpu.memory_space<semaphore_mem>> -> memref<1x!tpu.dma_semaphore, #tpu.memory_space<semaphore_mem>>
      %dma_wait3A_197 = tpu.memref_squeeze %dma_wait3A_196 : memref<1x!tpu.dma_semaphore, #tpu.memory_space<semaphore_mem>> -> memref<!tpu.dma_semaphore, #tpu.memory_space<semaphore_mem>>
      tpu.wait_indirect_dma semaphore(%dma_wait3A_197 : memref<!tpu.dma_semaphore, #tpu.memory_space<semaphore_mem>>) src(%dma_wait3A_195 : memref<650000x128xf32, #tpu.memory_space<hbm>>) dst(%arg10 : memref<128x128xf32, #tpu.memory_space<vmem>>)
      %mul3A_198 = arith.constant 128 : i32
      %mul3A_199 = arith.muli %add3A_187, %mul3A_198 : i32
      %add3A_200 = arith.addi %mul3A_2, %mul3A_199 : i32
      "tpu.region"() ({
        %run_scoped3A = tpu.sem_alloc : memref<!tpu.dma_semaphore, #tpu.memory_space<semaphore_mem>>
        %dma_start3A_232 = arith.constant 0 : i32
        %dma_start3A_233 = tpu.memref_slice %arg4[%add3A_200, %dma_start3A_232] : memref<106496x128xf32, #tpu.memory_space<hbm>> -> memref<128x128xf32, #tpu.memory_space<hbm>>
        %dma_start3A_234 = arith.constant 0 : i32
        %dma_start3A_235 = tpu.memref_slice %arg4[%add3A_200, %dma_start3A_234] : memref<106496x128xf32, #tpu.memory_space<hbm>> -> memref<128x128xf32, #tpu.memory_space<hbm>>
        tpu.enqueue_dma source(%arg10 : memref<128x128xf32, #tpu.memory_space<vmem>>) target(%dma_start3A_235 : memref<128x128xf32, #tpu.memory_space<hbm>>) target_semaphore(%run_scoped3A : memref<!tpu.dma_semaphore, #tpu.memory_space<semaphore_mem>>)
        %dma_wait3A_236 = arith.constant 0 : i32
        %dma_wait3A_237 = tpu.memref_slice %arg4[%add3A_200, %dma_wait3A_236] : memref<106496x128xf32, #tpu.memory_space<hbm>> -> memref<128x128xf32, #tpu.memory_space<hbm>>
        %dma_wait3A_238 = arith.constant 0 : i32
        %dma_wait3A_239 = tpu.memref_slice %arg4[%add3A_200, %dma_wait3A_238] : memref<106496x128xf32, #tpu.memory_space<hbm>> -> memref<128x128xf32, #tpu.memory_space<hbm>>
        tpu.wait_dma2 semaphore(%run_scoped3A : memref<!tpu.dma_semaphore, #tpu.memory_space<semaphore_mem>>) src(%arg10 : memref<128x128xf32, #tpu.memory_space<vmem>>) dst(%dma_wait3A_239 : memref<128x128xf32, #tpu.memory_space<hbm>>)
        tpu.yield
      }) : () -> ()
      %add3A_201 = arith.constant 6 : i32
      %add3A_202 = arith.addi %add3A_187, %add3A_201 : i32
      %lt3A_203 = arith.constant 26 : i32
      %lt3A_204 = arith.cmpi slt, %add3A_202, %lt3A_203 : i32
      %convert_element_type3A_205 = arith.extui %lt3A_204 : i1 to i32
      %cond3A_206 = arith.constant 0 : i32
      %cond3A_207 = arith.cmpi ne, %convert_element_type3A_205, %cond3A_206 : i32
      scf.if %cond3A_207 {
        %add3A_232 = arith.constant 6 : i32
        %add3A_233 = arith.addi %add3A_187, %add3A_232 : i32
        %dma_start3A_234 = arith.constant 4 : i32
        %dma_start3A_235 = arith.constant 0 : i32
        %dma_start3A_236 = tpu.memref_slice %arg5[%add3A_233, %dma_start3A_235] : memref<26x128xi32, #tpu.memory_space<vmem>> -> memref<1x128xi32, #tpu.memory_space<vmem>>
        %dma_start3A_237 = tpu.memref_squeeze %dma_start3A_236 : memref<1x128xi32, #tpu.memory_space<vmem>> -> memref<128xi32, #tpu.memory_space<vmem>>
        %dma_start3A_238 = arith.constant 0 : i32
        %dma_start3A_239 = arith.constant 0 : i32
        %dma_start3A_240 = tpu.memref_slice %arg2[%dma_start3A_238, %dma_start3A_239] : memref<650000x128xf32, #tpu.memory_space<hbm>> -> memref<650000x128xf32, #tpu.memory_space<hbm>>
        %dma_start3A_241 = tpu.memref_slice %arg12[%dma_start3A_234] : memref<6x!tpu.dma_semaphore, #tpu.memory_space<semaphore_mem>> -> memref<1x!tpu.dma_semaphore, #tpu.memory_space<semaphore_mem>>
        %dma_start3A_242 = tpu.memref_squeeze %dma_start3A_241 : memref<1x!tpu.dma_semaphore, #tpu.memory_space<semaphore_mem>> -> memref<!tpu.dma_semaphore, #tpu.memory_space<semaphore_mem>>
        tpu.enqueue_indirect_dma source(%dma_start3A_240 : memref<650000x128xf32, #tpu.memory_space<hbm>>) target(%arg10 : memref<128x128xf32, #tpu.memory_space<vmem>>) offsets(%dma_start3A_237 : memref<128xi32, #tpu.memory_space<vmem>>) semaphore(%dma_start3A_242 : memref<!tpu.dma_semaphore, #tpu.memory_space<semaphore_mem>>)
      } else {
      }
      %mul3A_208 = arith.constant 6 : i32
      %mul3A_209 = arith.muli %scan3A_90, %mul3A_208 : i32
      %add3A_210 = arith.constant 5 : i32
      %add3A_211 = arith.addi %mul3A_209, %add3A_210 : i32
      %dma_wait3A_212 = arith.constant 0 : i32
      %dma_wait3A_213 = arith.constant 5 : i32
      %dma_wait3A_214 = arith.constant 0 : i32
      %dma_wait3A_215 = tpu.memref_slice %arg5[%dma_wait3A_212, %dma_wait3A_214] : memref<26x128xi32, #tpu.memory_space<vmem>> -> memref<1x128xi32, #tpu.memory_space<vmem>>
      %dma_wait3A_216 = tpu.memref_squeeze %dma_wait3A_215 : memref<1x128xi32, #tpu.memory_space<vmem>> -> memref<128xi32, #tpu.memory_space<vmem>>
      %dma_wait3A_217 = arith.constant 0 : i32
      %dma_wait3A_218 = arith.constant 0 : i32
      %dma_wait3A_219 = tpu.memref_slice %arg2[%dma_wait3A_217, %dma_wait3A_218] : memref<650000x128xf32, #tpu.memory_space<hbm>> -> memref<650000x128xf32, #tpu.memory_space<hbm>>
      %dma_wait3A_220 = tpu.memref_slice %arg12[%dma_wait3A_213] : memref<6x!tpu.dma_semaphore, #tpu.memory_space<semaphore_mem>> -> memref<1x!tpu.dma_semaphore, #tpu.memory_space<semaphore_mem>>
      %dma_wait3A_221 = tpu.memref_squeeze %dma_wait3A_220 : memref<1x!tpu.dma_semaphore, #tpu.memory_space<semaphore_mem>> -> memref<!tpu.dma_semaphore, #tpu.memory_space<semaphore_mem>>
      tpu.wait_indirect_dma semaphore(%dma_wait3A_221 : memref<!tpu.dma_semaphore, #tpu.memory_space<semaphore_mem>>) src(%dma_wait3A_219 : memref<650000x128xf32, #tpu.memory_space<hbm>>) dst(%arg11 : memref<128x128xf32, #tpu.memory_space<vmem>>)
      %mul3A_222 = arith.constant 128 : i32
      %mul3A_223 = arith.muli %add3A_211, %mul3A_222 : i32
      %add3A_224 = arith.addi %mul3A_2, %mul3A_223 : i32
      "tpu.region"() ({
        %run_scoped3A = tpu.sem_alloc : memref<!tpu.dma_semaphore, #tpu.memory_space<semaphore_mem>>
        %dma_start3A_232 = arith.constant 0 : i32
        %dma_start3A_233 = tpu.memref_slice %arg4[%add3A_224, %dma_start3A_232] : memref<106496x128xf32, #tpu.memory_space<hbm>> -> memref<128x128xf32, #tpu.memory_space<hbm>>
        %dma_start3A_234 = arith.constant 0 : i32
        %dma_start3A_235 = tpu.memref_slice %arg4[%add3A_224, %dma_start3A_234] : memref<106496x128xf32, #tpu.memory_space<hbm>> -> memref<128x128xf32, #tpu.memory_space<hbm>>
        tpu.enqueue_dma source(%arg11 : memref<128x128xf32, #tpu.memory_space<vmem>>) target(%dma_start3A_235 : memref<128x128xf32, #tpu.memory_space<hbm>>) target_semaphore(%run_scoped3A : memref<!tpu.dma_semaphore, #tpu.memory_space<semaphore_mem>>)
        %dma_wait3A_236 = arith.constant 0 : i32
        %dma_wait3A_237 = tpu.memref_slice %arg4[%add3A_224, %dma_wait3A_236] : memref<106496x128xf32, #tpu.memory_space<hbm>> -> memref<128x128xf32, #tpu.memory_space<hbm>>
        %dma_wait3A_238 = arith.constant 0 : i32
        %dma_wait3A_239 = tpu.memref_slice %arg4[%add3A_224, %dma_wait3A_238] : memref<106496x128xf32, #tpu.memory_space<hbm>> -> memref<128x128xf32, #tpu.memory_space<hbm>>
        tpu.wait_dma2 semaphore(%run_scoped3A : memref<!tpu.dma_semaphore, #tpu.memory_space<semaphore_mem>>) src(%arg11 : memref<128x128xf32, #tpu.memory_space<vmem>>) dst(%dma_wait3A_239 : memref<128x128xf32, #tpu.memory_space<hbm>>)
        tpu.yield
      }) : () -> ()
      %add3A_225 = arith.constant 6 : i32
      %add3A_226 = arith.addi %add3A_211, %add3A_225 : i32
      %lt3A_227 = arith.constant 26 : i32
      %lt3A_228 = arith.cmpi slt, %add3A_226, %lt3A_227 : i32
      %convert_element_type3A_229 = arith.extui %lt3A_228 : i1 to i32
      %cond3A_230 = arith.constant 0 : i32
      %cond3A_231 = arith.cmpi ne, %convert_element_type3A_229, %cond3A_230 : i32
      scf.if %cond3A_231 {
        %add3A_232 = arith.constant 6 : i32
        %add3A_233 = arith.addi %add3A_211, %add3A_232 : i32
        %dma_start3A_234 = arith.constant 5 : i32
        %dma_start3A_235 = arith.constant 0 : i32
        %dma_start3A_236 = tpu.memref_slice %arg5[%add3A_233, %dma_start3A_235] : memref<26x128xi32, #tpu.memory_space<vmem>> -> memref<1x128xi32, #tpu.memory_space<vmem>>
        %dma_start3A_237 = tpu.memref_squeeze %dma_start3A_236 : memref<1x128xi32, #tpu.memory_space<vmem>> -> memref<128xi32, #tpu.memory_space<vmem>>
        %dma_start3A_238 = arith.constant 0 : i32
        %dma_start3A_239 = arith.constant 0 : i32
        %dma_start3A_240 = tpu.memref_slice %arg2[%dma_start3A_238, %dma_start3A_239] : memref<650000x128xf32, #tpu.memory_space<hbm>> -> memref<650000x128xf32, #tpu.memory_space<hbm>>
        %dma_start3A_241 = tpu.memref_slice %arg12[%dma_start3A_234] : memref<6x!tpu.dma_semaphore, #tpu.memory_space<semaphore_mem>> -> memref<1x!tpu.dma_semaphore, #tpu.memory_space<semaphore_mem>>
        %dma_start3A_242 = tpu.memref_squeeze %dma_start3A_241 : memref<1x!tpu.dma_semaphore, #tpu.memory_space<semaphore_mem>> -> memref<!tpu.dma_semaphore, #tpu.memory_space<semaphore_mem>>
        tpu.enqueue_indirect_dma source(%dma_start3A_240 : memref<650000x128xf32, #tpu.memory_space<hbm>>) target(%arg11 : memref<128x128xf32, #tpu.memory_space<vmem>>) offsets(%dma_start3A_237 : memref<128xi32, #tpu.memory_space<vmem>>) semaphore(%dma_start3A_242 : memref<!tpu.dma_semaphore, #tpu.memory_space<semaphore_mem>>)
      } else {
      }
    }
    %scan3A_66 = arith.constant 4 : i32
    %dma_wait3A = arith.constant 0 : i32
    %dma_wait3A_67 = arith.constant 0 : i32
    %dma_wait3A_68 = arith.constant 0 : i32
    %dma_wait3A_69 = tpu.memref_slice %arg5[%dma_wait3A, %dma_wait3A_68] : memref<26x128xi32, #tpu.memory_space<vmem>> -> memref<1x128xi32, #tpu.memory_space<vmem>>
    %dma_wait3A_70 = tpu.memref_squeeze %dma_wait3A_69 : memref<1x128xi32, #tpu.memory_space<vmem>> -> memref<128xi32, #tpu.memory_space<vmem>>
    %dma_wait3A_71 = arith.constant 0 : i32
    %dma_wait3A_72 = arith.constant 0 : i32
    %dma_wait3A_73 = tpu.memref_slice %arg2[%dma_wait3A_71, %dma_wait3A_72] : memref<650000x128xf32, #tpu.memory_space<hbm>> -> memref<650000x128xf32, #tpu.memory_space<hbm>>
    %dma_wait3A_74 = tpu.memref_slice %arg12[%dma_wait3A_67] : memref<6x!tpu.dma_semaphore, #tpu.memory_space<semaphore_mem>> -> memref<1x!tpu.dma_semaphore, #tpu.memory_space<semaphore_mem>>
    %dma_wait3A_75 = tpu.memref_squeeze %dma_wait3A_74 : memref<1x!tpu.dma_semaphore, #tpu.memory_space<semaphore_mem>> -> memref<!tpu.dma_semaphore, #tpu.memory_space<semaphore_mem>>
    tpu.wait_indirect_dma semaphore(%dma_wait3A_75 : memref<!tpu.dma_semaphore, #tpu.memory_space<semaphore_mem>>) src(%dma_wait3A_73 : memref<650000x128xf32, #tpu.memory_space<hbm>>) dst(%arg6 : memref<128x128xf32, #tpu.memory_space<vmem>>)
    %add3A_76 = arith.constant 3072 : i32
    %add3A_77 = arith.addi %mul3A_2, %add3A_76 : i32
    "tpu.region"() ({
      %run_scoped3A = tpu.sem_alloc : memref<!tpu.dma_semaphore, #tpu.memory_space<semaphore_mem>>
      %dma_start3A_90 = arith.constant 0 : i32
      %dma_start3A_91 = tpu.memref_slice %arg4[%add3A_77, %dma_start3A_90] : memref<106496x128xf32, #tpu.memory_space<hbm>> -> memref<128x128xf32, #tpu.memory_space<hbm>>
      %dma_start3A_92 = arith.constant 0 : i32
      %dma_start3A_93 = tpu.memref_slice %arg4[%add3A_77, %dma_start3A_92] : memref<106496x128xf32, #tpu.memory_space<hbm>> -> memref<128x128xf32, #tpu.memory_space<hbm>>
      tpu.enqueue_dma source(%arg6 : memref<128x128xf32, #tpu.memory_space<vmem>>) target(%dma_start3A_93 : memref<128x128xf32, #tpu.memory_space<hbm>>) target_semaphore(%run_scoped3A : memref<!tpu.dma_semaphore, #tpu.memory_space<semaphore_mem>>)
      %dma_wait3A_94 = arith.constant 0 : i32
      %dma_wait3A_95 = tpu.memref_slice %arg4[%add3A_77, %dma_wait3A_94] : memref<106496x128xf32, #tpu.memory_space<hbm>> -> memref<128x128xf32, #tpu.memory_space<hbm>>
      %dma_wait3A_96 = arith.constant 0 : i32
      %dma_wait3A_97 = tpu.memref_slice %arg4[%add3A_77, %dma_wait3A_96] : memref<106496x128xf32, #tpu.memory_space<hbm>> -> memref<128x128xf32, #tpu.memory_space<hbm>>
      tpu.wait_dma2 semaphore(%run_scoped3A : memref<!tpu.dma_semaphore, #tpu.memory_space<semaphore_mem>>) src(%arg6 : memref<128x128xf32, #tpu.memory_space<vmem>>) dst(%dma_wait3A_97 : memref<128x128xf32, #tpu.memory_space<hbm>>)
      tpu.yield
    }) : () -> ()
    %dma_wait3A_78 = arith.constant 0 : i32
    %dma_wait3A_79 = arith.constant 1 : i32
    %dma_wait3A_80 = arith.constant 0 : i32
    %dma_wait3A_81 = tpu.memref_slice %arg5[%dma_wait3A_78, %dma_wait3A_80] : memref<26x128xi32, #tpu.memory_space<vmem>> -> memref<1x128xi32, #tpu.memory_space<vmem>>
    %dma_wait3A_82 = tpu.memref_squeeze %dma_wait3A_81 : memref<1x128xi32, #tpu.memory_space<vmem>> -> memref<128xi32, #tpu.memory_space<vmem>>
    %dma_wait3A_83 = arith.constant 0 : i32
    %dma_wait3A_84 = arith.constant 0 : i32
    %dma_wait3A_85 = tpu.memref_slice %arg2[%dma_wait3A_83, %dma_wait3A_84] : memref<650000x128xf32, #tpu.memory_space<hbm>> -> memref<650000x128xf32, #tpu.memory_space<hbm>>
    %dma_wait3A_86 = tpu.memref_slice %arg12[%dma_wait3A_79] : memref<6x!tpu.dma_semaphore, #tpu.memory_space<semaphore_mem>> -> memref<1x!tpu.dma_semaphore, #tpu.memory_space<semaphore_mem>>
    %dma_wait3A_87 = tpu.memref_squeeze %dma_wait3A_86 : memref<1x!tpu.dma_semaphore, #tpu.memory_space<semaphore_mem>> -> memref<!tpu.dma_semaphore, #tpu.memory_space<semaphore_mem>>
    tpu.wait_indirect_dma semaphore(%dma_wait3A_87 : memref<!tpu.dma_semaphore, #tpu.memory_space<semaphore_mem>>) src(%dma_wait3A_85 : memref<650000x128xf32, #tpu.memory_space<hbm>>) dst(%arg7 : memref<128x128xf32, #tpu.memory_space<vmem>>)
    %add3A_88 = arith.constant 3200 : i32
    %add3A_89 = arith.addi %mul3A_2, %add3A_88 : i32
    "tpu.region"() ({
      %run_scoped3A = tpu.sem_alloc : memref<!tpu.dma_semaphore, #tpu.memory_space<semaphore_mem>>
      %dma_start3A_90 = arith.constant 0 : i32
      %dma_start3A_91 = tpu.memref_slice %arg4[%add3A_89, %dma_start3A_90] : memref<106496x128xf32, #tpu.memory_space<hbm>> -> memref<128x128xf32, #tpu.memory_space<hbm>>
      %dma_start3A_92 = arith.constant 0 : i32
      %dma_start3A_93 = tpu.memref_slice %arg4[%add3A_89, %dma_start3A_92] : memref<106496x128xf32, #tpu.memory_space<hbm>> -> memref<128x128xf32, #tpu.memory_space<hbm>>
      tpu.enqueue_dma source(%arg7 : memref<128x128xf32, #tpu.memory_space<vmem>>) target(%dma_start3A_93 : memref<128x128xf32, #tpu.memory_space<hbm>>) target_semaphore(%run_scoped3A : memref<!tpu.dma_semaphore, #tpu.memory_space<semaphore_mem>>)
      %dma_wait3A_94 = arith.constant 0 : i32
      %dma_wait3A_95 = tpu.memref_slice %arg4[%add3A_89, %dma_wait3A_94] : memref<106496x128xf32, #tpu.memory_space<hbm>> -> memref<128x128xf32, #tpu.memory_space<hbm>>
      %dma_wait3A_96 = arith.constant 0 : i32
      %dma_wait3A_97 = tpu.memref_slice %arg4[%add3A_89, %dma_wait3A_96] : memref<106496x128xf32, #tpu.memory_space<hbm>> -> memref<128x128xf32, #tpu.memory_space<hbm>>
      tpu.wait_dma2 semaphore(%run_scoped3A : memref<!tpu.dma_semaphore, #tpu.memory_space<semaphore_mem>>) src(%arg7 : memref<128x128xf32, #tpu.memory_space<vmem>>) dst(%dma_wait3A_97 : memref<128x128xf32, #tpu.memory_space<hbm>>)
      tpu.yield
    }) : () -> ()
    return
  }
}

module attributes {stable_mosaic.version = 14 : i64} {
  func.func @_extract_body(%arg0: i32, %arg1: memref<1024x128xf32, #tpu.memory_space<vmem>>, %arg2: memref<1024x32xi32, #tpu.memory_space<vmem>>, %arg3: memref<1024x32xf32, #tpu.memory_space<vmem>>) attributes {dimension_semantics = [#tpu.dimension_semantics<arbitrary>], iteration_bounds = array<i64: 104>, scalar_prefetch = 0 : i64, scratch_operands = 0 : i64, tpu.core_type = #tpu.core_type<tc>, window_params = [{transform_indices = @transform_0, window_bounds = array<i64: 1024, 128>}, {transform_indices = @transform_1, window_bounds = array<i64: 1024, 32>}, {transform_indices = @transform_2, window_bounds = array<i64: 1024, 32>}]} {
    %get3A = arith.constant 0 : index
    %get3A_0 = arith.constant 0 : index
    %get3A_1 = vector.load %arg2[%get3A, %get3A_0] : memref<1024x32xi32, #tpu.memory_space<vmem>>, vector<1024x32xi32>
    %broadcast_in_dim3A = arith.constant 0.000000e+00 : f32
    %broadcast_in_dim3A_2 = vector.broadcast %broadcast_in_dim3A : f32 to vector<1024x32xf32>
    %get3A_3 = arith.constant 0 : index
    %get3A_4 = arith.constant 0 : index
    %get3A_5 = vector.load %arg1[%get3A_3, %get3A_4] : memref<1024x128xf32, #tpu.memory_space<vmem>>, vector<1024x32xf32>
    %eq3A = arith.constant 0 : i32
    %eq3A_6 = vector.broadcast %eq3A : i32 to vector<1024x32xi32>
    %eq3A_7 = arith.cmpi eq, %get3A_1, %eq3A_6 : vector<1024x32xi32>
    %jit3A = arith.constant 0.000000e+00 : f32
    %broadcast_in_dim3A_8 = vector.broadcast %jit3A : f32 to vector<1024x32xf32>
    %select_n3A = arith.select %eq3A_7, %get3A_5, %broadcast_in_dim3A_8 : vector<1024x32xi1>, vector<1024x32xf32>
    %add3A = arith.addf %broadcast_in_dim3A_2, %select_n3A : vector<1024x32xf32>
    %get3A_9 = arith.constant 0 : index
    %get3A_10 = arith.constant 32 : index
    %get3A_11 = vector.load %arg1[%get3A_9, %get3A_10] : memref<1024x128xf32, #tpu.memory_space<vmem>>, vector<1024x32xf32>
    %eq3A_12 = arith.constant 1 : i32
    %eq3A_13 = vector.broadcast %eq3A_12 : i32 to vector<1024x32xi32>
    %eq3A_14 = arith.cmpi eq, %get3A_1, %eq3A_13 : vector<1024x32xi32>
    %jit3A_15 = arith.constant 0.000000e+00 : f32
    %broadcast_in_dim3A_16 = vector.broadcast %jit3A_15 : f32 to vector<1024x32xf32>
    %select_n3A_17 = arith.select %eq3A_14, %get3A_11, %broadcast_in_dim3A_16 : vector<1024x32xi1>, vector<1024x32xf32>
    %add3A_18 = arith.addf %add3A, %select_n3A_17 : vector<1024x32xf32>
    %get3A_19 = arith.constant 0 : index
    %get3A_20 = arith.constant 64 : index
    %get3A_21 = vector.load %arg1[%get3A_19, %get3A_20] : memref<1024x128xf32, #tpu.memory_space<vmem>>, vector<1024x32xf32>
    %eq3A_22 = arith.constant 2 : i32
    %eq3A_23 = vector.broadcast %eq3A_22 : i32 to vector<1024x32xi32>
    %eq3A_24 = arith.cmpi eq, %get3A_1, %eq3A_23 : vector<1024x32xi32>
    %jit3A_25 = arith.constant 0.000000e+00 : f32
    %broadcast_in_dim3A_26 = vector.broadcast %jit3A_25 : f32 to vector<1024x32xf32>
    %select_n3A_27 = arith.select %eq3A_24, %get3A_21, %broadcast_in_dim3A_26 : vector<1024x32xi1>, vector<1024x32xf32>
    %add3A_28 = arith.addf %add3A_18, %select_n3A_27 : vector<1024x32xf32>
    %get3A_29 = arith.constant 0 : index
    %get3A_30 = arith.constant 96 : index
    %get3A_31 = vector.load %arg1[%get3A_29, %get3A_30] : memref<1024x128xf32, #tpu.memory_space<vmem>>, vector<1024x32xf32>
    %eq3A_32 = arith.constant 3 : i32
    %eq3A_33 = vector.broadcast %eq3A_32 : i32 to vector<1024x32xi32>
    %eq3A_34 = arith.cmpi eq, %get3A_1, %eq3A_33 : vector<1024x32xi32>
    %jit3A_35 = arith.constant 0.000000e+00 : f32
    %broadcast_in_dim3A_36 = vector.broadcast %jit3A_35 : f32 to vector<1024x32xf32>
    %select_n3A_37 = arith.select %eq3A_34, %get3A_31, %broadcast_in_dim3A_36 : vector<1024x32xi1>, vector<1024x32xf32>
    %add3A_38 = arith.addf %add3A_28, %select_n3A_37 : vector<1024x32xf32>
    %swap3A = arith.constant 0 : index
    %swap3A_39 = arith.constant 0 : index
    %swap3A_40 = vector.load %arg3[%swap3A, %swap3A_39] : memref<1024x32xf32, #tpu.memory_space<vmem>>, vector<1024x32xf32>
    tpu.vector_store %arg3[%swap3A, %swap3A_39], %add3A_38 {strides = array<i32>} : memref<1024x32xf32, #tpu.memory_space<vmem>>, vector<1024x32xf32>,
    return
  }
  func.func @transform_0(%arg0: i32) -> (i32, i32) {
    %c0_i32 = arith.constant 0 : i32
    %c0_i32_0 = arith.constant 0 : i32
    return %arg0, %c0_i32 : i32, i32
  }
  func.func @transform_1(%arg0: i32) -> (i32, i32) {
    %c0_i32 = arith.constant 0 : i32
    %c0_i32_0 = arith.constant 0 : i32
    return %arg0, %c0_i32 : i32, i32
  }
  func.func @transform_2(%arg0: i32) -> (i32, i32) {
    %c0_i32 = arith.constant 0 : i32
    %c0_i32_0 = arith.constant 0 : i32
    return %arg0, %c0_i32 : i32, i32
  }
}

</mosaic_0001>

<sc_bundles>
// kernel: kernel.4.cloned.1.call-start
scs
__scs_entry_jumppad:
0x0: {  	(pc) =	sbr.rel $0x88, $3  }
0x1: {  	(tag) =	ssettag $0x0;
	lr =	simm.s32 $0x1  }
0x2: {  	[smem:$0x3F9F] =	sst lr;
	_ =	strace $0xD0000000  }
0x3: {  	_ = 	snop  }
0x4: {  	_ = 	snop  }
0x5: {  	_ = 	snop  }
0x6: {  	_ = 	snop  }
0x7: {  	_ = 	snop  }
__scs_overlays_trampoline_lowered:
0x8: {  	[smem:$0x3FAE] =	sst s0  }
0x9: {  	[smem:$0x3FAF] =	sst s1  }
0xa: {  	[smem:$0x3FB0] =	sst s2  }
0xb: {  	[smem:$0x3FB1] =	sst s3  }
0xc: {  	[smem:$0x3FB2] =	sst s4  }
0xd: {  	[smem:$0x3FB3] =	sst s5  }
0xe: {  	[smem:$0x3FB4] =	sst s6  }
0xf: {  	[smem:$0x3FB5] =	sst s7  }
0x10: {  	[smem:$0x3FB6] =	sst s8  }
0x11: {  	[smem:$0x3FB7] =	sst s9;
	s0 =	simm.s32 @!p0 $0x0  }
0x12: {  	s1 =	sld [smem:$0x3F9D];
	s0 =	simm.s32 @p0 $0x1  }
0x13: {  	[smem:$0x3FB8] =	sst s0;
	s0 =	simm.s32 @!p1 $0x0  }
0x14: {  	s2 =	sld [smem:$0x3F9C];
	s0 =	simm.s32 @p1 $0x1  }
0x15: {  	[smem:$0x3FB9] =	sst s0;
	s0 =	simm.s32 @!p2 $0x0  }
0x16: {  	s3 =	sld [smem:$0x3FDB];
	s0 =	simm.s32 @p2 $0x1  }
0x17: {  	s4 =	simm.s32 $0x1BF5;
	[smem:$0x3FBB] =	sst s0  }
0x18: {  	s0 =	sld [smem:$0x3F9E];
	_ =	swait.ge [sflag:s4], $0x0  }
0x19: {  	s7 =	sld [smem:$0x3F9F]  }
0x1a: {  	s8 =	sadd.s32 $0xFFFFE003, lr  }
0x1b: {  	s9 =	sadd.s32 $0xFFFFFEF7, lr;
	s5 =	simm.s32 $0xFFFFFFFF;
	p2 =	slt.u32 s8, $0xFFFFF086  }
0x1c: {  	p1 =	slt.u32 s9, $0xF7A;
	s5 =	simm.s32 @!p2 $0x0  }
0x1d: {  	s5 =	simm.s32 @p1 $0x1;
	p0 =	seq.s32 s7, s2  }
0x1e: {  	s7 =	smul.u32 @!p0 $0xF7A, s2;
	p2 =	seq.s32 @!p0 s5, $0x0  }
0x1f: {  	s9 =	smul.u32 $0xF7A, s1;
	s8 =	simm.s32 @!p0 $0x1BF5;
	p2 =	por !p2, p0  }
0x20: {  	[sflag:s8] =	ssyncset.s32 @!p0 $0xFFFFF086;
	s6 =	sadd.s32 @!p0 s3, s7;
	s7 =	simm.s32 @!p0 $0x108  }
0x21: {  	s3 =	sadd.s32 s3, s9;
	s6 =	sadd.s32 @!p0 $0x88, s6;
	s7 =	simm.s32 @p2 $0x1082  }
0x22: {  	[simem:s7], [sflag:s8] =	dma.local @!p0 [hbm:s6], $0xF7A  }
0x23: {  	s9 =	sor.u32 $0xD0000000, s2;
	s6 =	simm.s32 $0x108;
	_ =	swait.ge @!p0 [sflag:s8], $0x0  }
0x24: {  	s3 =	sadd.s32 $0x88, s3;
	s6 =	simm.s32 @!p1 $0x1082;
	[sflag:s4] =	ssyncset.s32 $0xFFFFF086  }
0x25: {  	[simem:s6], [sflag:s4] =	dma.local [hbm:s3], $0xF7A  }
0x26: {  	[smem:$0x3F9F] =	sst s1;
	(tag) =	ssettag s2;
	_ =	strace s9  }
0x27: {  	s1 =	sld [smem:$0x3FAF]  }
0x28: {  	s2 =	sld [smem:$0x3FB0]  }
0x29: {  	s4 =	sld [smem:$0x3FB2]  }
0x2a: {  	p0 =	seq.s32 s5, $0x0;
	s5 =	sld [smem:$0x3FB3]  }
0x2b: {  	s6 =	sld [smem:$0x3FB4]  }
0x2c: {  	s7 =	sld [smem:$0x3FB5]  }
0x2d: {  	s3 =	simm.s32 $0x108;
	s8 =	sld [smem:$0x3FB6]  }
0x2e: {  	s3 =	simm.s32 @!p0 $0x1082;
	s9 =	sld [smem:$0x3FB7]  }
0x2f: {  	lr =	sadd.s32 s0, s3;
	s0 =	sld [smem:$0x3FAE]  }
0x30: {  	s3 =	sld [smem:$0x3FB1]  }
0x31: {  	[smem:$0x3FBA] =	sst s10  }
0x32: {  	s10 =	sld [smem:$0x3FB8];
	_ =	sdelay $0x3  }
0x33: {  	p0 =	seq.s32 s10, $0x1;
	s10 =	sld [smem:$0x3FBA];
	_ =	sdelay $0x3  }
0x34: {  	[smem:$0x3FBA] =	sst s10  }
0x35: {  	s10 =	sld [smem:$0x3FB9];
	_ =	sdelay $0x3  }
0x36: {  	p1 =	seq.s32 s10, $0x1;
	s10 =	sld [smem:$0x3FBA];
	_ =	sdelay $0x3  }
0x37: {  	[smem:$0x3FBA] =	sst s10  }
0x38: {  	s10 =	sld [smem:$0x3FBB]  }
0x39: {  	_ = 	snop;
	(pc) =	sbr.ind lr, $3  }
0x3a: {  	_ = 	snop  }
0x3b: {  	_ = 	snop  }
0x3c: {  	p2 =	seq.s32 s10, $0x1;
	s10 =	sld [smem:$0x3FBA]  }
0x3d: {  	_ =	shalt  }
0x3e: {  	_ =	shalt  }
0x3f: {  	_ =	shalt  }
0x40: {  	_ =	shalt  }
0x41: {  	_ =	shalt  }
0x42: {  	_ =	shalt  }
0x43: {  	_ =	shalt  }
0x44: {  	_ =	shalt  }
0x45: {  	_ =	shalt  }
0x46: {  	_ =	shalt  }
0x47: {  	_ =	shalt  }
0x48: {  	_ =	shalt  }
0x49: {  	_ =	shalt  }
0x4a: {  	_ =	shalt  }
0x4b: {  	_ =	shalt  }
0x4c: {  	_ =	shalt  }
0x4d: {  	_ =	shalt  }
0x4e: {  	_ =	shalt  }
0x4f: {  	_ =	shalt  }
0x50: {  	_ =	shalt  }
0x51: {  	_ =	shalt  }
0x52: {  	_ =	shalt  }
0x53: {  	_ =	shalt  }
0x54: {  	_ =	shalt  }
0x55: {  	_ =	shalt  }
0x56: {  	_ =	shalt  }
0x57: {  	_ =	shalt  }
0x58: {  	_ =	shalt  }
0x59: {  	_ =	shalt  }
0x5a: {  	_ =	shalt  }
0x5b: {  	_ =	shalt  }
0x5c: {  	_ =	shalt  }
0x5d: {  	_ =	shalt  }
0x5e: {  	_ =	shalt  }
0x5f: {  	_ =	shalt  }
0x60: {  	_ =	shalt  }
0x61: {  	_ =	shalt  }
0x62: {  	_ =	shalt  }
0x63: {  	_ =	shalt  }
0x64: {  	_ =	shalt  }
0x65: {  	_ =	shalt  }
0x66: {  	_ =	shalt  }
0x67: {  	_ =	shalt  }
0x68: {  	_ =	shalt  }
0x69: {  	_ =	shalt  }
0x6a: {  	_ =	shalt  }
0x6b: {  	_ =	shalt  }
0x6c: {  	_ =	shalt  }
0x6d: {  	_ =	shalt  }
0x6e: {  	_ =	shalt  }
0x6f: {  	_ =	shalt  }
0x70: {  	_ =	shalt  }
0x71: {  	_ =	shalt  }
0x72: {  	_ =	shalt  }
0x73: {  	_ =	shalt  }
0x74: {  	_ =	shalt  }
0x75: {  	_ =	shalt  }
0x76: {  	_ =	shalt  }
0x77: {  	_ =	shalt  }
0x78: {  	_ =	shalt  }
0x79: {  	_ =	shalt  }
0x7a: {  	_ =	shalt  }
0x7b: {  	_ =	shalt  }
0x7c: {  	_ =	shalt  }
0x7d: {  	_ =	shalt  }
0x7e: {  	_ =	shalt  }
0x7f: {  	_ =	shalt  }
0x80: {  	_ =	shalt  }
0x81: {  	_ =	shalt  }
0x82: {  	_ =	shalt  }
0x83: {  	_ =	shalt  }
0x84: {  	_ =	shalt  }
0x85: {  	_ =	shalt  }
0x86: {  	_ =	shalt  }
0x87: {  	_ =	shalt  }
.Lfunc_end0:
.L_simem_size_0:
called_computation_lowered:
.L_overlay_start_0:
0x88: {  	s2 =	sld [smem:$0x3FD9]  }
0x89: {  	s3 =	sld [smem:$0x3FFE];
	_ =	sdelay $0x1  }
0x8a: {  	s1 =	srdreg.scid  }
0x8b: {  	s0 =	sand.u32 $0x1, s1  }
0x8c: {  	s16 =	sshll.u32 s0, $0xA;
	s2 =	sadd.s32 s3, s2  }
0x8d: {  	s2 =	sadd.s32 s2, s16  }
0x8e: {  	[smem:$0x3FC6] =	sst s2  }
0x8f: {  	_ = 	snop  }
0x90: {  	(tm) =	ssettm $0x1  }
0x91: {  	s17 =	sld [smem:$0x3FFB];
	_ =	sdelay $0x3  }
0x92: {  	_ =	strace s17  }
0x93: {  	s2 =	sld [smem:$0x3FFC];
	_ =	sdelay $0x3  }
0x94: {  	_ =	strace s2  }
0x95: {  	s2 =	sld [smem:$0x3FFD];
	_ =	sdelay $0x3  }
0x96: {  	_ =	strace s2  }
0x97: {  	_ =	strace $0x8FFFFFFF  }
0x98: {  	s18 =	sld [smem:$0x3FDB];
	_ =	sdelay $0x1  }
0x99: {  	s19 =	simm.s32 $_scs_section_size  }
0x9a: {  	s4 =	simm.s32 $_size__tile_overlayer_lowered;
	s5 =	simm.s32 $_tile_overlayer_lowered  }
0x9b: {  	s22 =	simm.s32 $0x1BFF;
	s21 =	sshll.u32 s5, $0x1;
	s2 =	sadd.s32 s19, s18  }
0x9c: {  	s6 =	simm.s32 $0x0;
	s20 =	sshll.u32 s4, $0x1;
	s4 =	sadd.s32 s21, s2  }
0x9d: {  	[timem:s6], [sflag:s22] =	dma.local [hbm:s4], s20  }
0x9e: {  	_ =	swait.ge [sflag:s22], s20  }
0x9f: {  	s3 =	ssub.s32 $0x0, s20;
	[sflag:s22] =	ssyncset.done $0x0  }
0xa0: {  	[sflag:s22] =	ssyncadd.s32 s3;
	_ =	sdelay $0x1  }
0xa1: {  	s23 =	simm.s32 $0x1B8B  }
0xa2: {  	_ =	swait.ge [sflag:s23], $0x1  }
0xa3: {  	[sflag:s23] =	ssyncset.done $0x0  }
0xa4: {  	s25 =	simm.s32 $0x1B8E;
	s24 =	sld [smem:$0x3FFE];
	[sflag:s23] =	ssyncadd.s32 $0xFFFFFFFF  }
0xa5: {  	s26 =	simm.s32 $execute0_lowered;
	[smem:$0x3FD2] =	sst s25  }
0xa6: {  	s4 =	sshll.u32 s26, $0x1;
	_ =	strace $0x80000046;
	[dreg:$0x1] =	wrdreg $0xFFFFFFFF  }
0xa7: {  	s28 =	simm.s32 $_size_execute0_lowered;
	s2 =	sadd.s32 s2, s4;
	[dreg:$0x0] =	wrdreg $0x0  }
0xa8: {  	s4 =	sshll.u32 s28, $0x1;
	[dreg:$0x2] =	wrdreg s2  }
0xa9: {  	[dreg:$0x3] =	wrdreg s4  }
0xaa: {  	[dreg:$0x4] =	wrdreg $0xC0  }
0xab: {  	_ =	task [dreg:s6], $0x5FFFF  }
0xac: {  	[dreg:$0x1] =	wrdreg $0xFFFFFFFF  }
0xad: {  	[dreg:$0x0] =	wrdreg $0x60  }
0xae: {  	[dreg:$0x2] =	wrdreg s24  }
0xaf: {  	[dreg:$0x3] =	wrdreg $0x9  }
0xb0: {  	_ =	task.clear_ibuf [dreg:s6], $0x4FFFF;
	_ =	strace $0x90000046  }
0xb1: {  	s29 =	simm.s32 $0x9;
	_ =	strace $0x80000048  }
0xb2: {  	_ =	swait.ge [sflag:s29], $0x1  }
0xb3: {  	[sflag:s29] =	ssyncadd.s32 $0xFFFFFFFF  }
0xb4: {  	_ =	strace $0x90000048  }
0xb5: {  	_ =	sfence  }
0xb6: {  	s30 =	sld [smem:$0x0];
	_ =	sdelay $0x2  }
0xb7: {  	s31 =	sshll.u32 s1, $0xD;
	s1 =	sshrl.u32 s1, $0x2  }
0xb8: {  	s3 =	sand.u32 $0x4000, s31;
	s1 =	sadd.s32 s1, s30  }
0xb9: {  	s0 =	sor.u32 s3, s0;
	s1 =	sshll.u32 s1, $0x11  }
0xba: {  	s0 =	sor.u32 s1, s0  }
0xbb: {  	s0 =	sadd.s32 $0x8F2B, s0  }
0xbc: {  	[sflag:s0] =	ssyncadd.remote.s32 $0x1  }
0xbd: {  	_ =	sfence.sel $0xFFFF  }
0xbe: {  	[dreg:$0x0] =	wrdreg $0xFFFFFFFF;
	(pc) =	sbr.abs _section_cstart, $3  }
0xbf: {  	[dreg:$0x1] =	wrdreg $0xFFFFFFFF  }
0xc0: {  	_ =	task.clear_ibuf [dreg:s6], $0x2FFFF;
	_ =	strace $0x9FFFFFFF  }
0xc1: {  	(tm) =	ssettm $0x7FFFFFFF  }
tec
execute0_lowered:
.L_overlay_start_1:
0x0: {  	(tag) =	ssettag $0x1  }
0x1: {  	s4 =	rddreg [dreg:$0x0]  }
0x2: {  	s2 =	simm.s32 $0x0;
	s3 =	srdreg.scid;
	s0 =	stileid.u32  }
0x3: {  	s12 =	simm.s32 $0x5000;
	s14 =	simm.s32 $0x9000;
	s15 =	simm.s32 $0x180  }
0x4: {  	s16 =	simm.s32 $0xD000;
	s17 =	simm.s32 $0x200;
	s18 =	simm.s32 $0x11000  }
0x5: {  	s19 =	simm.s32 $0x280;
	s20 =	simm.s32 $0x15000;
	s21 =	simm.s32 $0x1  }
0x6: {  	s22 =	simm.s32 $0x2;
	s23 =	simm.s32 $0x3;
	s24 =	simm.s32 $0x4  }
0x7: {  	s25 =	simm.s32 $0x5;
	s26 =	simm.s32 $0x6;
	s28 =	simm.s32 $0x0  }
0x8: {  	[smem:$0x7FF] =	sst s2;
	s5 =	sand.u32 $0x1, s3;
	s6 =	sshll.u32 s0, $0x1  }
0x9: {  	s3 =	sadd.s32 $0x27AD000, s4;
	s9 =	sadd.s32 $0x4C00, s4;
	s10 =	smul.u32 $0x1A000, s0  }
0xa: {  	_ =	strace $0x80000047;
	s6 =	sor.u32 s5, s6;
	s11 =	smul.u32 $0xD000, s5  }
0xb: {  	s8 =	ssub.s32 $0x2, s5;
	s7 =	sshll.u32 s6, $0x9;
	s6 =	smul.u32 $0x68000, s6  }
.Ltmp0:
0xc: {  	s31 =	sshrl.u32 s8, $0x1;
	s7 =	sadd.s32 s7, s4;
	(pc) =	sbr.rel .LBB2_1-.Ltmp0, $4  }
0xd: {  	s8 =	ssub.s32 s8, s31;
	s6 =	sshrl.u32 s6, $0x3;
	s4 =	sadd.s32 $0xC00, s7  }
0xe: {  	s7 =	smax.u32 s8, $0x1;
	s6 =	sadd.s32 s9, s6;
	s9 =	sadd.s32 s10, s9  }
0xf: {  	s10 =	simm.s32 $0x80;
	s5 =	sadd.s32 $0xC000, s6;
	s6 =	sadd.s32 $0xC800, s6  }
0x10: {  	s8 =	sadd.s32 s11, s9;
	s9 =	simm.s32 $0x7;
	s11 =	simm.s32 $0x1000  }
.LBB2_4:
0x11: {  	_ =	swait.ge [sflag:s21], $0x4000  }
0x12: {  	[sflag:s21] =	ssyncset.done $0x0  }
0x13: {  	[sflag:s21] =	ssyncadd.s32 $0xFFFFC000  }
0x14: {  	[hbm4b:s5+s2] =	stream.linear.scatter [tilespmem:s11], [sflag:$0x7], $0x4000, $0x38;
	[tilespmem:$0x19000] =	vst v63  }
0x15: {  	_ =	swait.ge [sflag:s9], $0x4000  }
0x16: {  	[sflag:s9] =	ssyncset.done $0x0  }
0x17: {  	[sflag:s9] =	ssyncadd.s32 $0xFFFFC000  }
0x18: {  	s28 =	sadd.s32 $0x1, s28;
	_ =	swait.ge [sflag:s22], $0x4000  }
0x19: {  	p0 =	sne.s32 s28, s7;
	[sflag:s22] =	ssyncset.done $0x0  }
.Ltmp1:
0x1a: {  	[sflag:s22] =	ssyncadd.s32 $0xFFFFC000;
	(pc) =	sbr.rel @!p0 .LBB2_5-.Ltmp1, $4  }
0x1b: {  	[hbm4b:s6+s2] =	stream.linear.scatter [tilespmem:s12], [sflag:$0x7], $0x4000, $0x38;
	[tilespmem:$0x19000] =	vst v63  }
0x1c: {  	_ =	swait.ge [sflag:s9], $0x4000  }
0x1d: {  	[sflag:s9] =	ssyncset.done $0x0  }
0x1e: {  	[sflag:s9] =	ssyncadd.s32 $0xFFFFC000  }
.LBB2_1:
0x1f: {  	[tilespmem:s2], [sflag:$0x7] =	stream.linear.gather [hbm4b:s4+s2], $0xD00, $0x38;
	[tilespmem:$0x19000] =	vst v63  }
0x20: {  	_ =	swait.ge [sflag:s9], $0xD00  }
0x21: {  	[sflag:s9] =	ssyncset.done $0x0  }
0x22: {  	[sflag:s9] =	ssyncadd.s32 $0xFFFFF300  }
0x23: {  	[tilespmem:s11], [sflag:$0x1] =	stream.indirect.gather [hbm4b:s3+s10], $0x80, s2, s10, $0xb8;
	[tilespmem:$0x19000] =	vst v63  }
0x24: {  	_ = 	snop  }
0x25: {  	[tilespmem:s12], [sflag:$0x2] =	stream.indirect.gather [hbm4b:s3+s10], $0x80, s10, s10, $0xb8;
	[tilespmem:$0x19000] =	vst v63  }
0x26: {  	s0 =	simm.s32 $0x100  }
0x27: {  	[tilespmem:s14], [sflag:$0x3] =	stream.indirect.gather [hbm4b:s3+s10], $0x80, s0, s10, $0xb8;
	[tilespmem:$0x19000] =	vst v63  }
0x28: {  	_ = 	snop  }
0x29: {  	[tilespmem:s16], [sflag:$0x4] =	stream.indirect.gather [hbm4b:s3+s10], $0x80, s15, s10, $0xb8;
	[tilespmem:$0x19000] =	vst v63  }
0x2a: {  	_ = 	snop  }
0x2b: {  	[tilespmem:s18], [sflag:$0x5] =	stream.indirect.gather [hbm4b:s3+s10], $0x80, s17, s10, $0xb8;
	[tilespmem:$0x19000] =	vst v63  }
0x2c: {  	s29 =	simm.s32 $0x580;
	s30 =	simm.s32 $0x0  }
0x2d: {  	[tilespmem:s20], [sflag:$0x6] =	stream.indirect.gather [hbm4b:s3+s10], $0x80, s19, s10, $0xb8;
	[tilespmem:$0x19000] =	vst v63  }
.LBB2_2:
0x2e: {  	_ =	swait.ge [sflag:s21], $0x4000  }
0x2f: {  	[sflag:s21] =	ssyncset.done $0x0  }
0x30: {  	s31 =	sadd.s32 s30, s8;
	[sflag:s21] =	ssyncadd.s32 $0xFFFFC000  }
0x31: {  	[hbm4b:s31+s2] =	stream.linear.scatter [tilespmem:s11], [sflag:$0x7], $0x4000, $0x38;
	[tilespmem:$0x19000] =	vst v63  }
0x32: {  	_ =	swait.ge [sflag:s9], $0x4000  }
0x33: {  	[sflag:s9] =	ssyncset.done $0x0  }
0x34: {  	s0 =	sadd.s32 $0xFFFFFD80, s29;
	[sflag:s9] =	ssyncadd.s32 $0xFFFFC000  }
0x35: {  	[tilespmem:s11], [sflag:$0x1] =	stream.indirect.gather [hbm4b:s3+s10], $0x80, s0, s10, $0xb8;
	[tilespmem:$0x19000] =	vst v63  }
0x36: {  	_ =	swait.ge [sflag:s22], $0x4000  }
0x37: {  	[sflag:s22] =	ssyncset.done $0x0  }
0x38: {  	s1 =	sadd.s32 $0x800, s31;
	[sflag:s22] =	ssyncadd.s32 $0xFFFFC000  }
0x39: {  	[hbm4b:s1+s2] =	stream.linear.scatter [tilespmem:s12], [sflag:$0x7], $0x4000, $0x38;
	[tilespmem:$0x19000] =	vst v63  }
0x3a: {  	_ =	swait.ge [sflag:s9], $0x4000  }
0x3b: {  	[sflag:s9] =	ssyncset.done $0x0  }
0x3c: {  	s13 =	sadd.s32 $0xFFFFFE00, s29;
	[sflag:s9] =	ssyncadd.s32 $0xFFFFC000  }
0x3d: {  	[tilespmem:s12], [sflag:$0x2] =	stream.indirect.gather [hbm4b:s3+s10], $0x80, s13, s10, $0xb8;
	[tilespmem:$0x19000] =	vst v63  }
0x3e: {  	_ =	swait.ge [sflag:s23], $0x4000  }
0x3f: {  	[sflag:s23] =	ssyncset.done $0x0  }
0x40: {  	s1 =	sadd.s32 $0x1000, s31;
	[sflag:s23] =	ssyncadd.s32 $0xFFFFC000  }
0x41: {  	[hbm4b:s1+s2] =	stream.linear.scatter [tilespmem:s14], [sflag:$0x7], $0x4000, $0x38;
	[tilespmem:$0x19000] =	vst v63  }
0x42: {  	p0 =	seq.s32 s30, $0x9000;
	_ =	swait.ge [sflag:s9], $0x4000  }
0x43: {  	s0 =	sadd.s32 @!p0 $0xFFFFFE80, s29;
	[sflag:s9] =	ssyncset.done $0x0  }
0x44: {  	s13 =	simm.s32 @!p0 $0x9000;
	s1 =	simm.s32 @!p0 $0x80;
	[sflag:s9] =	ssyncadd.s32 $0xFFFFC000  }
0x45: {  	[tilespmem:s13], [sflag:$0x3] =	stream.indirect.gather @!p0 [hbm4b:s3+s1], $0x80, s0, s1, $0xb8;
	[tilespmem:$0x19000] =	vst v63  }
0x46: {  	_ =	swait.ge [sflag:s24], $0x4000  }
0x47: {  	[sflag:s24] =	ssyncset.done $0x0  }
0x48: {  	s13 =	sadd.s32 $0x1800, s31;
	[sflag:s24] =	ssyncadd.s32 $0xFFFFC000  }
0x49: {  	[hbm4b:s13+s2] =	stream.linear.scatter [tilespmem:s16], [sflag:$0x7], $0x4000, $0x38;
	[tilespmem:$0x19000] =	vst v63  }
0x4a: {  	_ =	swait.ge [sflag:s9], $0x4000  }
0x4b: {  	[sflag:s9] =	ssyncset.done $0x0  }
0x4c: {  	s0 =	sadd.s32 @!p0 $0xFFFFFF00, s29;
	s13 =	simm.s32 @!p0 $0xD000;
	[sflag:s9] =	ssyncadd.s32 $0xFFFFC000  }
0x4d: {  	[tilespmem:s13], [sflag:$0x4] =	stream.indirect.gather @!p0 [hbm4b:s3+s1], $0x80, s0, s1, $0xb8;
	[tilespmem:$0x19000] =	vst v63  }
0x4e: {  	_ =	swait.ge [sflag:s25], $0x4000  }
0x4f: {  	[sflag:s25] =	ssyncset.done $0x0  }
0x50: {  	s13 =	sadd.s32 $0x2000, s31;
	[sflag:s25] =	ssyncadd.s32 $0xFFFFC000  }
0x51: {  	[hbm4b:s13+s2] =	stream.linear.scatter [tilespmem:s18], [sflag:$0x7], $0x4000, $0x38;
	[tilespmem:$0x19000] =	vst v63  }
0x52: {  	_ =	swait.ge [sflag:s9], $0x4000  }
0x53: {  	[sflag:s9] =	ssyncset.done $0x0  }
0x54: {  	s0 =	sadd.s32 @!p0 $0xFFFFFF80, s29;
	s13 =	simm.s32 @!p0 $0x11000;
	[sflag:s9] =	ssyncadd.s32 $0xFFFFC000  }
0x55: {  	[tilespmem:s13], [sflag:$0x5] =	stream.indirect.gather @!p0 [hbm4b:s3+s1], $0x80, s0, s1, $0xb8;
	[tilespmem:$0x19000] =	vst v63  }
0x56: {  	_ =	swait.ge [sflag:s26], $0x4000  }
0x57: {  	[sflag:s26] =	ssyncset.done $0x0  }
.Ltmp2:
0x58: {  	s31 =	sadd.s32 $0x2800, s31;
	[sflag:s26] =	ssyncadd.s32 $0xFFFFC000;
	(pc) =	sbr.rel @p0 .LBB2_4-.Ltmp2, $4  }
0x59: {  	[hbm4b:s31+s2] =	stream.linear.scatter [tilespmem:s20], [sflag:$0x7], $0x4000, $0x38;
	[tilespmem:$0x19000] =	vst v63  }
0x5a: {  	_ =	swait.ge [sflag:s9], $0x4000  }
0x5b: {  	[sflag:s9] =	ssyncset.done $0x0  }
0x5c: {  	[sflag:s9] =	ssyncadd.s32 $0xFFFFC000  }
.Ltmp3:
0x5d: {  	(pc) =	sbr.rel .LBB2_2-.Ltmp3, $3  }
0x5e: {  	_ =	sdelay $0x1  }
0x5f: {  	[tilespmem:s20], [sflag:$0x6] =	stream.indirect.gather [hbm4b:s3+s10], $0x80, s29, s10, $0xb8;
	[tilespmem:$0x19000] =	vst v63  }
0x60: {  	s30 =	sadd.s32 $0x3000, s30;
	s29 =	sadd.s32 $0x300, s29  }
.LBB2_5:
0x61: {  	_ =	sfence.sel $0x180000  }
0x62: {  	[bflag:$0x0] =	sbarrier.arrive $0xFFFF  }
0x63: {  	_ =	strace $0x90000047  }
0x64: {  	s0 =	stileid.u32;
	[bflag:$0x2] =	sbarrier.arrive $0xFFFF  }
0x65: {  	p0 =	sne.s32 s0, $0x0;
	s0 =	rddreg [dreg:$0x1]  }
0x66: {  	s0 =	sadd.s32 @!p0 $0x100000, s0  }
0x67: {  	[sflag:s0] =	ssyncadd.tile.s32 @!p0 $0x1;
	_ =	shalt  }
.Lfunc_end2:
_tile_overlayer_lowered:
.L_overlay_start_2:
0x68: {  	(tag) =	ssettag $0x2  }
0x69: {  	s0 =	rddreg [dreg:$0x0];
	s2 =	stileid.u32  }
0x6a: {  	s1 =	rddreg [dreg:$0x1];
	p0 =	sne.s32 s2, $0x0  }
0x6b: {  	s3 =	rddreg [dreg:$0x2];
	[bflag:$0x3] =	sbarrier.arrive $0xFFFF;
	s2 =	simm.s32 @!p0 $0x1C07  }
0x6c: {  	[timem:s3], [sflag:s2] =	dma.local @!p0 [hbm:s0], s1  }
0x6d: {  	s0 =	simm.s32 @!p0 $0x7  }
0x6e: {  	_ =	swait.ge @!p0 [sflag:s0], s1  }
0x6f: {  	s1 =	ssub.s32 @!p0 $0x0, s1;
	[sflag:s0] =	ssyncset.done @!p0 $0x0  }
0x70: {  	[sflag:s0] =	ssyncadd.s32 @!p0 s1  }
0x71: {  	[bflag:$0x3] =	sbarrier.arrive $0xFFFF  }
0x72: {  	_ =	shalt  }

</sc_bundles>
